<compile_context>
chip_gen: v7x
topology: tpu7x:2x2x1
jax: 0.10.2.dev20260603
libtpu: 0.0.44.dev20260713+nightly
codegen_flags: <defaults>
</compile_context>

<pallas_src>
import functools

import jax
import jax.numpy as jnp
from jax import lax
from jax.experimental import pallas as pl
from jax.experimental.pallas import tpu as pltpu
from jax.experimental.pallas import tpu_sc as plsc

NUM_CORES = 2
NUM_SUBCORES = 16
NW = NUM_CORES * NUM_SUBCORES
CHUNK = 128


def _edge_scatter(rows_tbl, ei4, n_pad, feat, const_rows):
    cpt = ei4.shape[2]
    assert cpt % 2 == 0
    rpt = n_pad // NUM_SUBCORES
    mesh = plsc.VectorSubcoreMesh(core_axis_name="c", subcore_axis_name="s")
    zeros = jnp.zeros((rpt, feat), jnp.float32)

    scratch = [
        pltpu.VMEM((cpt, CHUNK), jnp.int32),
        pltpu.VMEM((CHUNK, feat), jnp.float32),
        pltpu.VMEM((CHUNK, feat), jnp.float32),
        pltpu.VMEM_SHARED((n_pad, feat), jnp.float32),
        pltpu.SemaphoreType.DMA,
        pltpu.SemaphoreType.DMA,
    ]
    if not const_rows:
        scratch.insert(0, pltpu.VMEM((cpt, CHUNK), jnp.int32))

    @functools.partial(
        pl.kernel,
        mesh=mesh,
        out_type=jax.ShapeDtypeStruct((NUM_CORES, n_pad, feat), jnp.float32),
        scratch_types=scratch,
        compiler_params=pltpu.CompilerParams(use_tc_tiling_on_sc=False),
    )
    def k(rows_hbm, ei_hbm, zeros_hbm, out_hbm, *refs):
        if const_rows:
            srcv = None
            dstv, rows0, rows1, acc, sem0, sem1 = refs
        else:
            srcv, dstv, rows0, rows1, acc, sem0, sem1 = refs
        c = lax.axis_index("c")
        s = lax.axis_index("s")
        wid = c * NUM_SUBCORES + s
        pltpu.sync_copy(zeros_hbm, acc.at[pl.ds(s * rpt, rpt)])
        pltpu.sync_copy(ei_hbm.at[1, wid], dstv)
        if const_rows:
            pltpu.sync_copy(rows_hbm, rows0)
        else:
            pltpu.sync_copy(ei_hbm.at[0, wid], srcv)
        plsc.subcore_barrier()

        if const_rows:
            def scat(i, sem):
                pltpu.async_copy(rows0, acc.at[dstv.at[i]], sem, add=True)

            def wscat(sem):
                pltpu.make_async_copy(rows0, acc.at[dstv.at[0]], sem).wait()

            scat(0, sem0)
            scat(1, sem1)

            def body(kk, carry):
                wscat(sem0)
                scat(2 * kk, sem0)
                wscat(sem1)
                scat(2 * kk + 1, sem1)
                return carry

            lax.fori_loop(1, cpt // 2, body, 0)
            wscat(sem0)
            wscat(sem1)
        else:
            def gat(i, buf, sem):
                pltpu.async_copy(rows_hbm.at[srcv.at[i]], buf, sem)

            def wgat(buf, sem):
                pltpu.make_async_copy(rows_hbm.at[srcv.at[0]], buf, sem).wait()

            gat(0, rows0, sem0)

            def body(kk, carry):
                i0 = 2 * kk
                wgat(rows0, sem0)
                gat(i0 + 1, rows1, sem1)
                pltpu.sync_copy(rows0, acc.at[dstv.at[i0]], add=True)
                wgat(rows1, sem1)
                inext = jnp.minimum(i0 + 2, cpt - 1)
                gat(inext, rows0, sem0)
                pltpu.sync_copy(rows1, acc.at[dstv.at[i0 + 1]], add=True)
                return carry

            lax.fori_loop(0, cpt // 2, body, 0)
            wgat(rows0, sem0)

        plsc.subcore_barrier()
        pltpu.sync_copy(
            acc.at[pl.ds(s * rpt, rpt)],
            out_hbm.at[c, pl.ds(s * rpt, rpt)],
        )

    return k(rows_tbl, ei4, zeros)


def _dinv(dp_ref, n):
    dp = dp_ref[...]
    deg = dp[0, :n, :1] + dp[1, :n, :1] + 1.0
    return lax.rsqrt(jnp.maximum(deg, 1.0))


def _padrows(v, n_pad):
    n, f = v.shape
    return jnp.concatenate([v, jnp.zeros((n_pad - n, f), v.dtype)], axis=0)


def _full(shape):
    return pl.BlockSpec(shape, lambda i: (0,) * len(shape))


def _enc1(x, W1, degp, n_pad):
    n, dfe = x.shape
    hid = W1.shape[1]

    def body(x_ref, w_ref, dp_ref, s_ref):
        dinv = _dinv(dp_ref, n)
        s = jnp.dot(x_ref[...], w_ref[...],
                    preferred_element_type=jnp.float32) * dinv
        s_ref[...] = _padrows(s, n_pad)

    return pl.pallas_call(
        body,
        grid=(1,),
        in_specs=[_full((n, dfe)), _full((dfe, hid)), _full(degp.shape)],
        out_specs=_full((n_pad, hid)),
        out_shape=jax.ShapeDtypeStruct((n_pad, hid), jnp.float32),
    )(x, W1, degp)


def _enc2(pp, s, W2, degp, n):
    n_pad, hid = s.shape
    code = W2.shape[1]

    def body(pp_ref, s_ref, w_ref, dp_ref, t_ref):
        dinv = _dinv(dp_ref, n)
        p = pp_ref[...]
        h = jnp.maximum((p[0, :n] + p[1, :n] + s_ref[...][:n]) * dinv, 0.0)
        t = jnp.dot(h, w_ref[...],
                    preferred_element_type=jnp.float32) * dinv
        t_ref[...] = _padrows(t, n_pad)

    return pl.pallas_call(
        body,
        grid=(1,),
        in_specs=[_full(pp.shape), _full((n_pad, hid)), _full((hid, code)),
                  _full(degp.shape)],
        out_specs=_full((n_pad, code)),
        out_shape=jax.ShapeDtypeStruct((n_pad, code), jnp.float32),
    )(pp, s, W2, degp)


def _form_z(qq, t, degp, n):
    n_pad, code = t.shape

    def body(qq_ref, t_ref, dp_ref, z_ref):
        dinv = _dinv(dp_ref, n)
        q = qq_ref[...]
        z = (q[0, :n] + q[1, :n] + t_ref[...][:n]) * dinv
        z_ref[...] = _padrows(z, n_pad)

    return pl.pallas_call(
        body,
        grid=(1,),
        in_specs=[_full(qq.shape), _full((n_pad, code)), _full(degp.shape)],
        out_specs=_full((n_pad, code)),
        out_shape=jax.ShapeDtypeStruct((n_pad, code), jnp.float32),
    )(qq, t, degp)


def _decode(z, n):
    n_pad, code = z.shape
    rb = 400

    def body(zi_ref, zj_ref, o_ref):
        g = lax.dot_general(zi_ref[...], zj_ref[...],
                            (((1,), (1,)), ((), ())),
                            preferred_element_type=jnp.float32)
        o_ref[...] = jax.nn.sigmoid(g)

    return pl.pallas_call(
        body,
        grid=(n // rb,),
        in_specs=[
            pl.BlockSpec((rb, code), lambda i: (i, 0)),
            pl.BlockSpec((n, code), lambda i: (0, 0)),
        ],
        out_specs=pl.BlockSpec((rb, n), lambda i: (i, 0)),
        out_shape=jax.ShapeDtypeStruct((n, n), jnp.float32),
    )(z, z)


def kernel(x, edge_index, W1, W2):
    n = x.shape[0]
    e = edge_index.shape[1]

    epc = NW * CHUNK
    e_pad = ((e + epc - 1) // epc) * epc
    cpt = e_pad // epc
    ei4 = jnp.pad(edge_index, ((0, 0), (0, e_pad - e)),
                  constant_values=n).reshape(2, NW, cpt, CHUNK)

    n_pad = ((n + 1 + NUM_SUBCORES * 8 - 1) // (NUM_SUBCORES * 8)) * (NUM_SUBCORES * 8)

    degf = 8
    ones = jnp.ones((CHUNK, degf), jnp.float32)
    degp = _edge_scatter(ones, ei4, n_pad, degf, const_rows=True)

    s1 = _enc1(x, W1, degp, n_pad)
    pp = _edge_scatter(s1, ei4, n_pad, s1.shape[1], const_rows=False)
    t = _enc2(pp, s1, W2, degp, n)
    qq = _edge_scatter(t, ei4, n_pad, t.shape[1], const_rows=False)
    z = _form_z(qq, t, degp, n)
    return _decode(z, n)

# --- scband reference (transcript-rebuilt; emitter-appended) ---
"""Pipeline reference for scband-gcnautoencoder-32040456028319 (READ-ONLY COPY).

The authoritative reference and input builder live on the scoring server;
editing this copy changes nothing except your own understanding.
"""

import jax, jax.numpy as jnp
import numpy as np

N = 10000
D_FEAT = 128
HIDDEN = 32
CODE = 16
E = 160000


def setup_inputs(seed: int = 0) -> dict:
    key = jax.random.key(seed)
    k1, k2, k3, k4 = jax.random.split(key, 4)
    x = jax.random.normal(k1, (N, D_FEAT), dtype=jnp.float32)
    edge_index = jax.random.randint(k2, (2, E), 0, N, dtype=jnp.int32)
    # KipfAndWillingConv filters: [in_dim, out_dim], glorot-style scale
    W1 = jax.random.normal(k3, (D_FEAT, HIDDEN), dtype=jnp.float32) * (1.0 / np.sqrt(D_FEAT))
    W2 = jax.random.normal(k4, (HIDDEN, CODE), dtype=jnp.float32) * (1.0 / np.sqrt(HIDDEN))
    return {"x": x, "edge_index": edge_index, "W1": W1, "W2": W2}


def _gcn_norm(edge_index, num_nodes):
    # Sparse form of D^{-1/2} (A + I) D^{-1/2} (KipfAndWillingConv.compute_transform)
    src, dst = edge_index[0], edge_index[1]
    loop = jnp.arange(num_nodes, dtype=src.dtype)
    src = jnp.concatenate([src, loop])
    dst = jnp.concatenate([dst, loop])
    deg = jax.ops.segment_sum(jnp.ones(src.shape[0], dtype=jnp.float32), dst, num_segments=num_nodes)
    dinv = jax.lax.rsqrt(jnp.maximum(deg, 1.0))
    norm = dinv[src] * dinv[dst]
    return src, dst, norm


def _conv(h, W, src, dst, norm, num_nodes):
    # transform @ (x @ W): gather along src, weight, scatter-add into dst
    hw = h @ W
    msg = hw[src] * norm[:, None]
    return jax.ops.segment_sum(msg, dst, num_segments=num_nodes)


def reference(x, edge_index, W1, W2):
    num_nodes = x.shape[0]
    src, dst, norm = _gcn_norm(edge_index, num_nodes)
    hidden = _conv(x, W1, src, dst, norm, num_nodes)
    hidden = jax.nn.relu(hidden)
    # dropout p=0.5 is identity in eval mode
    encoded = _conv(hidden, W2, src, dst, norm, num_nodes)
    # l.decode: inner-product decoder -> sigmoid(Z Z^T)
    prediction = jax.nn.sigmoid(encoded @ encoded.T)
    return prediction

if __name__ == "__main__":
    import jax
    _d = setup_inputs()
    print(jax.jit(kernel)(*tuple(_d.values())))

</pallas_src>

<mosaic_0001>
#map = affine_map<(d0, d1) -> (0, 0)>
#map1 = affine_map<(d0, d1) -> (0, 0, 0, 0)>
#map2 = affine_map<(d0, d1) -> (0, 0, 0)>
module attributes {stable_mosaic.version = 14 : i64} {
  func.func @k(%arg0: i32, %arg1: i32, %arg2: memref<10112x32xf32, #tpu.memory_space<hbm>>, %arg3: memref<2x32x40x128xi32, #tpu.memory_space<hbm>>, %arg4: memref<632x32xf32, #tpu.memory_space<hbm>>, %arg5: memref<2x10112x32xf32, #tpu.memory_space<hbm>>, %arg6: memref<40x128xi32, #tpu.memory_space<vmem>>, %arg7: memref<40x128xi32, #tpu.memory_space<vmem>>, %arg8: memref<128x32xf32, #tpu.memory_space<vmem>>, %arg9: memref<128x32xf32, #tpu.memory_space<vmem>>, %arg10: memref<10112x32xf32, #tpu.memory_space<vmem_shared>>, %arg11: memref<!tpu.dma_semaphore, #tpu.memory_space<semaphore_mem>>, %arg12: memref<!tpu.dma_semaphore, #tpu.memory_space<semaphore_mem>>) attributes {dimension_semantics = [#tpu.dimension_semantics<core_parallel>, #tpu.dimension_semantics<subcore_parallel>], iteration_bounds = array<i64: 2, 16>, scalar_prefetch = 0 : i64, scratch_operands = 7 : i64, tpu.core_type = #tpu.core_type<sc_vector_subcore>, window_params = [{transform_indices = #map}, {transform_indices = #map1}, {transform_indices = #map}, {transform_indices = #map2}]} {
    %mul3A = arith.constant 16 : i32
    %mul3A_0 = arith.muli %arg0, %mul3A : i32
    %add3A = arith.addi %mul3A_0, %arg1 : i32
    %mul3A_1 = arith.constant 632 : i32
    %mul3A_2 = arith.muli %arg1, %mul3A_1 : i32
    "tpu.region"() ({
      %run_scoped3A_26 = tpu.sem_alloc : memref<!tpu.dma_semaphore, #tpu.memory_space<semaphore_mem>>
      %dma_start3A_27 = arith.constant 0 : i32
      %dma_start3A_28 = tpu.memref_slice %arg10[%mul3A_2, %dma_start3A_27] : memref<10112x32xf32, #tpu.memory_space<vmem_shared>> -> memref<632x32xf32, #tpu.memory_space<vmem_shared>>
      tpu.enqueue_dma source(%arg4 : memref<632x32xf32, #tpu.memory_space<hbm>>) target(%dma_start3A_28 : memref<632x32xf32, #tpu.memory_space<vmem_shared>>) target_semaphore(%run_scoped3A_26 : memref<!tpu.dma_semaphore, #tpu.memory_space<semaphore_mem>>)
      %dma_wait3A_29 = arith.constant 0 : i32
      %dma_wait3A_30 = tpu.memref_slice %arg10[%mul3A_2, %dma_wait3A_29] : memref<10112x32xf32, #tpu.memory_space<vmem_shared>> -> memref<632x32xf32, #tpu.memory_space<vmem_shared>>
      tpu.wait_dma2 semaphore(%run_scoped3A_26 : memref<!tpu.dma_semaphore, #tpu.memory_space<semaphore_mem>>) src(%arg4 : memref<632x32xf32, #tpu.memory_space<hbm>>) dst(%dma_wait3A_30 : memref<632x32xf32, #tpu.memory_space<vmem_shared>>)
      tpu.yield
    }) : () -> ()
    %run_scoped3A = arith.constant 1 : i32
    "tpu.region"() ({
      %run_scoped3A_26 = tpu.sem_alloc : memref<!tpu.dma_semaphore, #tpu.memory_space<semaphore_mem>>
      %dma_start3A_27 = arith.constant 0 : i32
      %dma_start3A_28 = arith.constant 0 : i32
      %dma_start3A_29 = tpu.memref_slice %arg3[%run_scoped3A, %add3A, %dma_start3A_27, %dma_start3A_28] : memref<2x32x40x128xi32, #tpu.memory_space<hbm>> -> memref<1x1x40x128xi32, #tpu.memory_space<hbm>>
      %dma_start3A_30 = tpu.memref_squeeze %dma_start3A_29 : memref<1x1x40x128xi32, #tpu.memory_space<hbm>> -> memref<40x128xi32, #tpu.memory_space<hbm>>
      %dma_start3A_31 = arith.constant 0 : i32
      %dma_start3A_32 = arith.constant 0 : i32
      %dma_start3A_33 = tpu.memref_slice %arg3[%run_scoped3A, %add3A, %dma_start3A_31, %dma_start3A_32] : memref<2x32x40x128xi32, #tpu.memory_space<hbm>> -> memref<1x1x40x128xi32, #tpu.memory_space<hbm>>
      %dma_start3A_34 = tpu.memref_squeeze %dma_start3A_33 : memref<1x1x40x128xi32, #tpu.memory_space<hbm>> -> memref<40x128xi32, #tpu.memory_space<hbm>>
      tpu.enqueue_dma source(%dma_start3A_34 : memref<40x128xi32, #tpu.memory_space<hbm>>) target(%arg7 : memref<40x128xi32, #tpu.memory_space<vmem>>) target_semaphore(%run_scoped3A_26 : memref<!tpu.dma_semaphore, #tpu.memory_space<semaphore_mem>>)
      %dma_wait3A_35 = arith.constant 0 : i32
      %dma_wait3A_36 = arith.constant 0 : i32
      %dma_wait3A_37 = tpu.memref_slice %arg3[%run_scoped3A, %add3A, %dma_wait3A_35, %dma_wait3A_36] : memref<2x32x40x128xi32, #tpu.memory_space<hbm>> -> memref<1x1x40x128xi32, #tpu.memory_space<hbm>>
      %dma_wait3A_38 = tpu.memref_squeeze %dma_wait3A_37 : memref<1x1x40x128xi32, #tpu.memory_space<hbm>> -> memref<40x128xi32, #tpu.memory_space<hbm>>
      %dma_wait3A_39 = arith.constant 0 : i32
      %dma_wait3A_40 = arith.constant 0 : i32
      %dma_wait3A_41 = tpu.memref_slice %arg3[%run_scoped3A, %add3A, %dma_wait3A_39, %dma_wait3A_40] : memref<2x32x40x128xi32, #tpu.memory_space<hbm>> -> memref<1x1x40x128xi32, #tpu.memory_space<hbm>>
      %dma_wait3A_42 = tpu.memref_squeeze %dma_wait3A_41 : memref<1x1x40x128xi32, #tpu.memory_space<hbm>> -> memref<40x128xi32, #tpu.memory_space<hbm>>
      tpu.wait_dma2 semaphore(%run_scoped3A_26 : memref<!tpu.dma_semaphore, #tpu.memory_space<semaphore_mem>>) src(%dma_wait3A_42 : memref<40x128xi32, #tpu.memory_space<hbm>>) dst(%arg7 : memref<40x128xi32, #tpu.memory_space<vmem>>)
      tpu.yield
    }) : () -> ()
    %run_scoped3A_3 = arith.constant 0 : i32
    "tpu.region"() ({
      %run_scoped3A_26 = tpu.sem_alloc : memref<!tpu.dma_semaphore, #tpu.memory_space<semaphore_mem>>
      %dma_start3A_27 = arith.constant 0 : i32
      %dma_start3A_28 = arith.constant 0 : i32
      %dma_start3A_29 = tpu.memref_slice %arg3[%run_scoped3A_3, %add3A, %dma_start3A_27, %dma_start3A_28] : memref<2x32x40x128xi32, #tpu.memory_space<hbm>> -> memref<1x1x40x128xi32, #tpu.memory_space<hbm>>
      %dma_start3A_30 = tpu.memref_squeeze %dma_start3A_29 : memref<1x1x40x128xi32, #tpu.memory_space<hbm>> -> memref<40x128xi32, #tpu.memory_space<hbm>>
      %dma_start3A_31 = arith.constant 0 : i32
      %dma_start3A_32 = arith.constant 0 : i32
      %dma_start3A_33 = tpu.memref_slice %arg3[%run_scoped3A_3, %add3A, %dma_start3A_31, %dma_start3A_32] : memref<2x32x40x128xi32, #tpu.memory_space<hbm>> -> memref<1x1x40x128xi32, #tpu.memory_space<hbm>>
      %dma_start3A_34 = tpu.memref_squeeze %dma_start3A_33 : memref<1x1x40x128xi32, #tpu.memory_space<hbm>> -> memref<40x128xi32, #tpu.memory_space<hbm>>
      tpu.enqueue_dma source(%dma_start3A_34 : memref<40x128xi32, #tpu.memory_space<hbm>>) target(%arg6 : memref<40x128xi32, #tpu.memory_space<vmem>>) target_semaphore(%run_scoped3A_26 : memref<!tpu.dma_semaphore, #tpu.memory_space<semaphore_mem>>)
      %dma_wait3A_35 = arith.constant 0 : i32
      %dma_wait3A_36 = arith.constant 0 : i32
      %dma_wait3A_37 = tpu.memref_slice %arg3[%run_scoped3A_3, %add3A, %dma_wait3A_35, %dma_wait3A_36] : memref<2x32x40x128xi32, #tpu.memory_space<hbm>> -> memref<1x1x40x128xi32, #tpu.memory_space<hbm>>
      %dma_wait3A_38 = tpu.memref_squeeze %dma_wait3A_37 : memref<1x1x40x128xi32, #tpu.memory_space<hbm>> -> memref<40x128xi32, #tpu.memory_space<hbm>>
      %dma_wait3A_39 = arith.constant 0 : i32
      %dma_wait3A_40 = arith.constant 0 : i32
      %dma_wait3A_41 = tpu.memref_slice %arg3[%run_scoped3A_3, %add3A, %dma_wait3A_39, %dma_wait3A_40] : memref<2x32x40x128xi32, #tpu.memory_space<hbm>> -> memref<1x1x40x128xi32, #tpu.memory_space<hbm>>
      %dma_wait3A_42 = tpu.memref_squeeze %dma_wait3A_41 : memref<1x1x40x128xi32, #tpu.memory_space<hbm>> -> memref<40x128xi32, #tpu.memory_space<hbm>>
      tpu.wait_dma2 semaphore(%run_scoped3A_26 : memref<!tpu.dma_semaphore, #tpu.memory_space<semaphore_mem>>) src(%dma_wait3A_42 : memref<40x128xi32, #tpu.memory_space<hbm>>) dst(%arg6 : memref<40x128xi32, #tpu.memory_space<vmem>>)
      tpu.yield
    }) : () -> ()
    %barrier3A = arith.constant 0 : index
    tpu.barrier barrier_id(%barrier3A)
    %dma_start3A = arith.constant 0 : i32
    %dma_start3A_4 = arith.constant 0 : i32
    %dma_start3A_5 = tpu.memref_slice %arg6[%dma_start3A, %dma_start3A_4] : memref<40x128xi32, #tpu.memory_space<vmem>> -> memref<1x128xi32, #tpu.memory_space<vmem>>
    %dma_start3A_6 = tpu.memref_squeeze %dma_start3A_5 : memref<1x128xi32, #tpu.memory_space<vmem>> -> memref<128xi32, #tpu.memory_space<vmem>>
    %dma_start3A_7 = arith.constant 0 : i32
    %dma_start3A_8 = arith.constant 0 : i32
    %dma_start3A_9 = tpu.memref_slice %arg2[%dma_start3A_7, %dma_start3A_8] : memref<10112x32xf32, #tpu.memory_space<hbm>> -> memref<10112x32xf32, #tpu.memory_space<hbm>>
    tpu.enqueue_indirect_dma source(%dma_start3A_9 : memref<10112x32xf32, #tpu.memory_space<hbm>>) target(%arg8 : memref<128x32xf32, #tpu.memory_space<vmem>>) offsets(%dma_start3A_6 : memref<128xi32, #tpu.memory_space<vmem>>) semaphore(%arg11 : memref<!tpu.dma_semaphore, #tpu.memory_space<semaphore_mem>>)
    %scan3A = arith.constant 0 : i32
    %scan3A_10 = arith.constant 0 : i32
    %scan3A_11 = arith.constant 20 : i32
    %scan3A_12 = arith.addi %scan3A_10, %scan3A_11 : i32
    %scan3A_13 = arith.constant 1 : i32
    scf.for %scan3A_26 = %scan3A_10 to %scan3A_12 step %scan3A_13  : i32 {
      %mul3A_27 = arith.constant 2 : i32
      %mul3A_28 = arith.muli %mul3A_27, %scan3A_26 : i32
      %dma_wait3A_29 = arith.constant 0 : i32
      %dma_wait3A_30 = arith.constant 0 : i32
      %dma_wait3A_31 = tpu.memref_slice %arg6[%dma_wait3A_29, %dma_wait3A_30] : memref<40x128xi32, #tpu.memory_space<vmem>> -> memref<1x128xi32, #tpu.memory_space<vmem>>
      %dma_wait3A_32 = tpu.memref_squeeze %dma_wait3A_31 : memref<1x128xi32, #tpu.memory_space<vmem>> -> memref<128xi32, #tpu.memory_space<vmem>>
      %dma_wait3A_33 = arith.constant 0 : i32
      %dma_wait3A_34 = arith.constant 0 : i32
      %dma_wait3A_35 = tpu.memref_slice %arg2[%dma_wait3A_33, %dma_wait3A_34] : memref<10112x32xf32, #tpu.memory_space<hbm>> -> memref<10112x32xf32, #tpu.memory_space<hbm>>
      tpu.wait_indirect_dma semaphore(%arg11 : memref<!tpu.dma_semaphore, #tpu.memory_space<semaphore_mem>>) src(%dma_wait3A_35 : memref<10112x32xf32, #tpu.memory_space<hbm>>) dst(%arg8 : memref<128x32xf32, #tpu.memory_space<vmem>>)
      %add3A_36 = arith.constant 1 : i32
      %add3A_37 = arith.addi %mul3A_28, %add3A_36 : i32
      %dma_start3A_38 = arith.constant 0 : i32
      %dma_start3A_39 = tpu.memref_slice %arg6[%add3A_37, %dma_start3A_38] : memref<40x128xi32, #tpu.memory_space<vmem>> -> memref<1x128xi32, #tpu.memory_space<vmem>>
      %dma_start3A_40 = tpu.memref_squeeze %dma_start3A_39 : memref<1x128xi32, #tpu.memory_space<vmem>> -> memref<128xi32, #tpu.memory_space<vmem>>
      %dma_start3A_41 = arith.constant 0 : i32
      %dma_start3A_42 = arith.constant 0 : i32
      %dma_start3A_43 = tpu.memref_slice %arg2[%dma_start3A_41, %dma_start3A_42] : memref<10112x32xf32, #tpu.memory_space<hbm>> -> memref<10112x32xf32, #tpu.memory_space<hbm>>
      tpu.enqueue_indirect_dma source(%dma_start3A_43 : memref<10112x32xf32, #tpu.memory_space<hbm>>) target(%arg9 : memref<128x32xf32, #tpu.memory_space<vmem>>) offsets(%dma_start3A_40 : memref<128xi32, #tpu.memory_space<vmem>>) semaphore(%arg12 : memref<!tpu.dma_semaphore, #tpu.memory_space<semaphore_mem>>)
      "tpu.region"() ({
        %run_scoped3A_62 = tpu.sem_alloc : memref<!tpu.dma_semaphore, #tpu.memory_space<semaphore_mem>>
        %dma_start3A_63 = arith.constant 0 : i32
        %dma_start3A_64 = tpu.memref_slice %arg7[%mul3A_28, %dma_start3A_63] : memref<40x128xi32, #tpu.memory_space<vmem>> -> memref<1x128xi32, #tpu.memory_space<vmem>>
        %dma_start3A_65 = tpu.memref_squeeze %dma_start3A_64 : memref<1x128xi32, #tpu.memory_space<vmem>> -> memref<128xi32, #tpu.memory_space<vmem>>
        %dma_start3A_66 = arith.constant 0 : i32
        %dma_start3A_67 = arith.constant 0 : i32
        %dma_start3A_68 = tpu.memref_slice %arg10[%dma_start3A_66, %dma_start3A_67] : memref<10112x32xf32, #tpu.memory_space<vmem_shared>> -> memref<10112x32xf32, #tpu.memory_space<vmem_shared>>
        tpu.enqueue_indirect_dma source(%arg8 : memref<128x32xf32, #tpu.memory_space<vmem>>) target(%dma_start3A_68 : memref<10112x32xf32, #tpu.memory_space<vmem_shared>>) offsets(%dma_start3A_65 : memref<128xi32, #tpu.memory_space<vmem>>) semaphore(%run_scoped3A_62 : memref<!tpu.dma_semaphore, #tpu.memory_space<semaphore_mem>>) {add = true}
        %dma_wait3A_69 = arith.constant 0 : i32
        %dma_wait3A_70 = tpu.memref_slice %arg7[%mul3A_28, %dma_wait3A_69] : memref<40x128xi32, #tpu.memory_space<vmem>> -> memref<1x128xi32, #tpu.memory_space<vmem>>
        %dma_wait3A_71 = tpu.memref_squeeze %dma_wait3A_70 : memref<1x128xi32, #tpu.memory_space<vmem>> -> memref<128xi32, #tpu.memory_space<vmem>>
        %dma_wait3A_72 = arith.constant 0 : i32
        %dma_wait3A_73 = arith.constant 0 : i32
        %dma_wait3A_74 = tpu.memref_slice %arg10[%dma_wait3A_72, %dma_wait3A_73] : memref<10112x32xf32, #tpu.memory_space<vmem_shared>> -> memref<10112x32xf32, #tpu.memory_space<vmem_shared>>
        tpu.wait_indirect_dma semaphore(%run_scoped3A_62 : memref<!tpu.dma_semaphore, #tpu.memory_space<semaphore_mem>>) src(%arg8 : memref<128x32xf32, #tpu.memory_space<vmem>>) dst(%dma_wait3A_74 : memref<10112x32xf32, #tpu.memory_space<vmem_shared>>)
        tpu.yield
      }) : () -> ()
      %dma_wait3A_44 = arith.constant 0 : i32
      %dma_wait3A_45 = arith.constant 0 : i32
      %dma_wait3A_46 = tpu.memref_slice %arg6[%dma_wait3A_44, %dma_wait3A_45] : memref<40x128xi32, #tpu.memory_space<vmem>> -> memref<1x128xi32, #tpu.memory_space<vmem>>
      %dma_wait3A_47 = tpu.memref_squeeze %dma_wait3A_46 : memref<1x128xi32, #tpu.memory_space<vmem>> -> memref<128xi32, #tpu.memory_space<vmem>>
      %dma_wait3A_48 = arith.constant 0 : i32
      %dma_wait3A_49 = arith.constant 0 : i32
      %dma_wait3A_50 = tpu.memref_slice %arg2[%dma_wait3A_48, %dma_wait3A_49] : memref<10112x32xf32, #tpu.memory_space<hbm>> -> memref<10112x32xf32, #tpu.memory_space<hbm>>
      tpu.wait_indirect_dma semaphore(%arg12 : memref<!tpu.dma_semaphore, #tpu.memory_space<semaphore_mem>>) src(%dma_wait3A_50 : memref<10112x32xf32, #tpu.memory_space<hbm>>) dst(%arg9 : memref<128x32xf32, #tpu.memory_space<vmem>>)
      %add3A_51 = arith.constant 2 : i32
      %add3A_52 = arith.addi %mul3A_28, %add3A_51 : i32
      %min3A = arith.constant 39 : i32
      %min3A_53 = arith.minsi %add3A_52, %min3A : i32
      %dma_start3A_54 = arith.constant 0 : i32
      %dma_start3A_55 = tpu.memref_slice %arg6[%min3A_53, %dma_start3A_54] : memref<40x128xi32, #tpu.memory_space<vmem>> -> memref<1x128xi32, #tpu.memory_space<vmem>>
      %dma_start3A_56 = tpu.memref_squeeze %dma_start3A_55 : memref<1x128xi32, #tpu.memory_space<vmem>> -> memref<128xi32, #tpu.memory_space<vmem>>
      %dma_start3A_57 = arith.constant 0 : i32
      %dma_start3A_58 = arith.constant 0 : i32
      %dma_start3A_59 = tpu.memref_slice %arg2[%dma_start3A_57, %dma_start3A_58] : memref<10112x32xf32, #tpu.memory_space<hbm>> -> memref<10112x32xf32, #tpu.memory_space<hbm>>
      tpu.enqueue_indirect_dma source(%dma_start3A_59 : memref<10112x32xf32, #tpu.memory_space<hbm>>) target(%arg8 : memref<128x32xf32, #tpu.memory_space<vmem>>) offsets(%dma_start3A_56 : memref<128xi32, #tpu.memory_space<vmem>>) semaphore(%arg11 : memref<!tpu.dma_semaphore, #tpu.memory_space<semaphore_mem>>)
      %add3A_60 = arith.constant 1 : i32
      %add3A_61 = arith.addi %mul3A_28, %add3A_60 : i32
      "tpu.region"() ({
        %run_scoped3A_62 = tpu.sem_alloc : memref<!tpu.dma_semaphore, #tpu.memory_space<semaphore_mem>>
        %dma_start3A_63 = arith.constant 0 : i32
        %dma_start3A_64 = tpu.memref_slice %arg7[%add3A_61, %dma_start3A_63] : memref<40x128xi32, #tpu.memory_space<vmem>> -> memref<1x128xi32, #tpu.memory_space<vmem>>
        %dma_start3A_65 = tpu.memref_squeeze %dma_start3A_64 : memref<1x128xi32, #tpu.memory_space<vmem>> -> memref<128xi32, #tpu.memory_space<vmem>>
        %dma_start3A_66 = arith.constant 0 : i32
        %dma_start3A_67 = arith.constant 0 : i32
        %dma_start3A_68 = tpu.memref_slice %arg10[%dma_start3A_66, %dma_start3A_67] : memref<10112x32xf32, #tpu.memory_space<vmem_shared>> -> memref<10112x32xf32, #tpu.memory_space<vmem_shared>>
        tpu.enqueue_indirect_dma source(%arg9 : memref<128x32xf32, #tpu.memory_space<vmem>>) target(%dma_start3A_68 : memref<10112x32xf32, #tpu.memory_space<vmem_shared>>) offsets(%dma_start3A_65 : memref<128xi32, #tpu.memory_space<vmem>>) semaphore(%run_scoped3A_62 : memref<!tpu.dma_semaphore, #tpu.memory_space<semaphore_mem>>) {add = true}
        %dma_wait3A_69 = arith.constant 0 : i32
        %dma_wait3A_70 = tpu.memref_slice %arg7[%add3A_61, %dma_wait3A_69] : memref<40x128xi32, #tpu.memory_space<vmem>> -> memref<1x128xi32, #tpu.memory_space<vmem>>
        %dma_wait3A_71 = tpu.memref_squeeze %dma_wait3A_70 : memref<1x128xi32, #tpu.memory_space<vmem>> -> memref<128xi32, #tpu.memory_space<vmem>>
        %dma_wait3A_72 = arith.constant 0 : i32
        %dma_wait3A_73 = arith.constant 0 : i32
        %dma_wait3A_74 = tpu.memref_slice %arg10[%dma_wait3A_72, %dma_wait3A_73] : memref<10112x32xf32, #tpu.memory_space<vmem_shared>> -> memref<10112x32xf32, #tpu.memory_space<vmem_shared>>
        tpu.wait_indirect_dma semaphore(%run_scoped3A_62 : memref<!tpu.dma_semaphore, #tpu.memory_space<semaphore_mem>>) src(%arg9 : memref<128x32xf32, #tpu.memory_space<vmem>>) dst(%dma_wait3A_74 : memref<10112x32xf32, #tpu.memory_space<vmem_shared>>)
        tpu.yield
      }) : () -> ()
    }
    %scan3A_14 = arith.constant 20 : i32
    %dma_wait3A = arith.constant 0 : i32
    %dma_wait3A_15 = arith.constant 0 : i32
    %dma_wait3A_16 = tpu.memref_slice %arg6[%dma_wait3A, %dma_wait3A_15] : memref<40x128xi32, #tpu.memory_space<vmem>> -> memref<1x128xi32, #tpu.memory_space<vmem>>
    %dma_wait3A_17 = tpu.memref_squeeze %dma_wait3A_16 : memref<1x128xi32, #tpu.memory_space<vmem>> -> memref<128xi32, #tpu.memory_space<vmem>>
    %dma_wait3A_18 = arith.constant 0 : i32
    %dma_wait3A_19 = arith.constant 0 : i32
    %dma_wait3A_20 = tpu.memref_slice %arg2[%dma_wait3A_18, %dma_wait3A_19] : memref<10112x32xf32, #tpu.memory_space<hbm>> -> memref<10112x32xf32, #tpu.memory_space<hbm>>
    tpu.wait_indirect_dma semaphore(%arg11 : memref<!tpu.dma_semaphore, #tpu.memory_space<semaphore_mem>>) src(%dma_wait3A_20 : memref<10112x32xf32, #tpu.memory_space<hbm>>) dst(%arg8 : memref<128x32xf32, #tpu.memory_space<vmem>>)
    %barrier3A_21 = arith.constant 0 : index
    tpu.barrier barrier_id(%barrier3A_21)
    %mul3A_22 = arith.constant 632 : i32
    %mul3A_23 = arith.muli %arg1, %mul3A_22 : i32
    %mul3A_24 = arith.constant 632 : i32
    %mul3A_25 = arith.muli %arg1, %mul3A_24 : i32
    "tpu.region"() ({
      %run_scoped3A_26 = tpu.sem_alloc : memref<!tpu.dma_semaphore, #tpu.memory_space<semaphore_mem>>
      %dma_start3A_27 = arith.constant 0 : i32
      %dma_start3A_28 = tpu.memref_slice %arg5[%arg0, %mul3A_25, %dma_start3A_27] : memref<2x10112x32xf32, #tpu.memory_space<hbm>> -> memref<1x632x32xf32, #tpu.memory_space<hbm>>
      %dma_start3A_29 = tpu.memref_squeeze %dma_start3A_28 : memref<1x632x32xf32, #tpu.memory_space<hbm>> -> memref<632x32xf32, #tpu.memory_space<hbm>>
      %dma_start3A_30 = arith.constant 0 : i32
      %dma_start3A_31 = tpu.memref_slice %arg10[%mul3A_23, %dma_start3A_30] : memref<10112x32xf32, #tpu.memory_space<vmem_shared>> -> memref<632x32xf32, #tpu.memory_space<vmem_shared>>
      tpu.enqueue_dma source(%dma_start3A_31 : memref<632x32xf32, #tpu.memory_space<vmem_shared>>) target(%dma_start3A_29 : memref<632x32xf32, #tpu.memory_space<hbm>>) target_semaphore(%run_scoped3A_26 : memref<!tpu.dma_semaphore, #tpu.memory_space<semaphore_mem>>)
      %dma_wait3A_32 = arith.constant 0 : i32
      %dma_wait3A_33 = tpu.memref_slice %arg5[%arg0, %mul3A_25, %dma_wait3A_32] : memref<2x10112x32xf32, #tpu.memory_space<hbm>> -> memref<1x632x32xf32, #tpu.memory_space<hbm>>
      %dma_wait3A_34 = tpu.memref_squeeze %dma_wait3A_33 : memref<1x632x32xf32, #tpu.memory_space<hbm>> -> memref<632x32xf32, #tpu.memory_space<hbm>>
      %dma_wait3A_35 = arith.constant 0 : i32
      %dma_wait3A_36 = tpu.memref_slice %arg10[%mul3A_23, %dma_wait3A_35] : memref<10112x32xf32, #tpu.memory_space<vmem_shared>> -> memref<632x32xf32, #tpu.memory_space<vmem_shared>>
      tpu.wait_dma2 semaphore(%run_scoped3A_26 : memref<!tpu.dma_semaphore, #tpu.memory_space<semaphore_mem>>) src(%dma_wait3A_36 : memref<632x32xf32, #tpu.memory_space<vmem_shared>>) dst(%dma_wait3A_34 : memref<632x32xf32, #tpu.memory_space<hbm>>)
      tpu.yield
    }) : () -> ()
    return
  }
}

#map = affine_map<(d0, d1) -> (0, 0)>
#map1 = affine_map<(d0, d1) -> (0, 0, 0, 0)>
#map2 = affine_map<(d0, d1) -> (0, 0, 0)>
module attributes {stable_mosaic.version = 14 : i64} {
  func.func @k(%arg0: i32, %arg1: i32, %arg2: memref<128x8xf32, #tpu.memory_space<hbm>>, %arg3: memref<2x32x40x128xi32, #tpu.memory_space<hbm>>, %arg4: memref<632x8xf32, #tpu.memory_space<hbm>>, %arg5: memref<2x10112x8xf32, #tpu.memory_space<hbm>>, %arg6: memref<40x128xi32, #tpu.memory_space<vmem>>, %arg7: memref<128x8xf32, #tpu.memory_space<vmem>>, %arg8: memref<128x8xf32, #tpu.memory_space<vmem>>, %arg9: memref<10112x8xf32, #tpu.memory_space<vmem_shared>>, %arg10: memref<!tpu.dma_semaphore, #tpu.memory_space<semaphore_mem>>, %arg11: memref<!tpu.dma_semaphore, #tpu.memory_space<semaphore_mem>>) attributes {dimension_semantics = [#tpu.dimension_semantics<core_parallel>, #tpu.dimension_semantics<subcore_parallel>], iteration_bounds = array<i64: 2, 16>, scalar_prefetch = 0 : i64, scratch_operands = 6 : i64, tpu.core_type = #tpu.core_type<sc_vector_subcore>, window_params = [{transform_indices = #map}, {transform_indices = #map1}, {transform_indices = #map}, {transform_indices = #map2}]} {
    %mul3A = arith.constant 16 : i32
    %mul3A_0 = arith.muli %arg0, %mul3A : i32
    %add3A = arith.addi %mul3A_0, %arg1 : i32
    %mul3A_1 = arith.constant 632 : i32
    %mul3A_2 = arith.muli %arg1, %mul3A_1 : i32
    "tpu.region"() ({
      %run_scoped3A_39 = tpu.sem_alloc : memref<!tpu.dma_semaphore, #tpu.memory_space<semaphore_mem>>
      %dma_start3A_40 = arith.constant 0 : i32
      %dma_start3A_41 = tpu.memref_slice %arg9[%mul3A_2, %dma_start3A_40] : memref<10112x8xf32, #tpu.memory_space<vmem_shared>> -> memref<632x8xf32, #tpu.memory_space<vmem_shared>>
      tpu.enqueue_dma source(%arg4 : memref<632x8xf32, #tpu.memory_space<hbm>>) target(%dma_start3A_41 : memref<632x8xf32, #tpu.memory_space<vmem_shared>>) target_semaphore(%run_scoped3A_39 : memref<!tpu.dma_semaphore, #tpu.memory_space<semaphore_mem>>)
      %dma_wait3A_42 = arith.constant 0 : i32
      %dma_wait3A_43 = tpu.memref_slice %arg9[%mul3A_2, %dma_wait3A_42] : memref<10112x8xf32, #tpu.memory_space<vmem_shared>> -> memref<632x8xf32, #tpu.memory_space<vmem_shared>>
      tpu.wait_dma2 semaphore(%run_scoped3A_39 : memref<!tpu.dma_semaphore, #tpu.memory_space<semaphore_mem>>) src(%arg4 : memref<632x8xf32, #tpu.memory_space<hbm>>) dst(%dma_wait3A_43 : memref<632x8xf32, #tpu.memory_space<vmem_shared>>)
      tpu.yield
    }) : () -> ()
    %run_scoped3A = arith.constant 1 : i32
    "tpu.region"() ({
      %run_scoped3A_39 = tpu.sem_alloc : memref<!tpu.dma_semaphore, #tpu.memory_space<semaphore_mem>>
      %dma_start3A_40 = arith.constant 0 : i32
      %dma_start3A_41 = arith.constant 0 : i32
      %dma_start3A_42 = tpu.memref_slice %arg3[%run_scoped3A, %add3A, %dma_start3A_40, %dma_start3A_41] : memref<2x32x40x128xi32, #tpu.memory_space<hbm>> -> memref<1x1x40x128xi32, #tpu.memory_space<hbm>>
      %dma_start3A_43 = tpu.memref_squeeze %dma_start3A_42 : memref<1x1x40x128xi32, #tpu.memory_space<hbm>> -> memref<40x128xi32, #tpu.memory_space<hbm>>
      %dma_start3A_44 = arith.constant 0 : i32
      %dma_start3A_45 = arith.constant 0 : i32
      %dma_start3A_46 = tpu.memref_slice %arg3[%run_scoped3A, %add3A, %dma_start3A_44, %dma_start3A_45] : memref<2x32x40x128xi32, #tpu.memory_space<hbm>> -> memref<1x1x40x128xi32, #tpu.memory_space<hbm>>
      %dma_start3A_47 = tpu.memref_squeeze %dma_start3A_46 : memref<1x1x40x128xi32, #tpu.memory_space<hbm>> -> memref<40x128xi32, #tpu.memory_space<hbm>>
      tpu.enqueue_dma source(%dma_start3A_47 : memref<40x128xi32, #tpu.memory_space<hbm>>) target(%arg6 : memref<40x128xi32, #tpu.memory_space<vmem>>) target_semaphore(%run_scoped3A_39 : memref<!tpu.dma_semaphore, #tpu.memory_space<semaphore_mem>>)
      %dma_wait3A_48 = arith.constant 0 : i32
      %dma_wait3A_49 = arith.constant 0 : i32
      %dma_wait3A_50 = tpu.memref_slice %arg3[%run_scoped3A, %add3A, %dma_wait3A_48, %dma_wait3A_49] : memref<2x32x40x128xi32, #tpu.memory_space<hbm>> -> memref<1x1x40x128xi32, #tpu.memory_space<hbm>>
      %dma_wait3A_51 = tpu.memref_squeeze %dma_wait3A_50 : memref<1x1x40x128xi32, #tpu.memory_space<hbm>> -> memref<40x128xi32, #tpu.memory_space<hbm>>
      %dma_wait3A_52 = arith.constant 0 : i32
      %dma_wait3A_53 = arith.constant 0 : i32
      %dma_wait3A_54 = tpu.memref_slice %arg3[%run_scoped3A, %add3A, %dma_wait3A_52, %dma_wait3A_53] : memref<2x32x40x128xi32, #tpu.memory_space<hbm>> -> memref<1x1x40x128xi32, #tpu.memory_space<hbm>>
      %dma_wait3A_55 = tpu.memref_squeeze %dma_wait3A_54 : memref<1x1x40x128xi32, #tpu.memory_space<hbm>> -> memref<40x128xi32, #tpu.memory_space<hbm>>
      tpu.wait_dma2 semaphore(%run_scoped3A_39 : memref<!tpu.dma_semaphore, #tpu.memory_space<semaphore_mem>>) src(%dma_wait3A_55 : memref<40x128xi32, #tpu.memory_space<hbm>>) dst(%arg6 : memref<40x128xi32, #tpu.memory_space<vmem>>)
      tpu.yield
    }) : () -> ()
    "tpu.region"() ({
      %run_scoped3A_39 = tpu.sem_alloc : memref<!tpu.dma_semaphore, #tpu.memory_space<semaphore_mem>>
      tpu.enqueue_dma source(%arg2 : memref<128x8xf32, #tpu.memory_space<hbm>>) target(%arg7 : memref<128x8xf32, #tpu.memory_space<vmem>>) target_semaphore(%run_scoped3A_39 : memref<!tpu.dma_semaphore, #tpu.memory_space<semaphore_mem>>)
      tpu.wait_dma2 semaphore(%run_scoped3A_39 : memref<!tpu.dma_semaphore, #tpu.memory_space<semaphore_mem>>) src(%arg2 : memref<128x8xf32, #tpu.memory_space<hbm>>) dst(%arg7 : memref<128x8xf32, #tpu.memory_space<vmem>>)
      tpu.yield
    }) : () -> ()
    %barrier3A = arith.constant 0 : index
    tpu.barrier barrier_id(%barrier3A)
    %dma_start3A = arith.constant 0 : i32
    %dma_start3A_3 = arith.constant 0 : i32
    %dma_start3A_4 = tpu.memref_slice %arg6[%dma_start3A, %dma_start3A_3] : memref<40x128xi32, #tpu.memory_space<vmem>> -> memref<1x128xi32, #tpu.memory_space<vmem>>
    %dma_start3A_5 = tpu.memref_squeeze %dma_start3A_4 : memref<1x128xi32, #tpu.memory_space<vmem>> -> memref<128xi32, #tpu.memory_space<vmem>>
    %dma_start3A_6 = arith.constant 0 : i32
    %dma_start3A_7 = arith.constant 0 : i32
    %dma_start3A_8 = tpu.memref_slice %arg9[%dma_start3A_6, %dma_start3A_7] : memref<10112x8xf32, #tpu.memory_space<vmem_shared>> -> memref<10112x8xf32, #tpu.memory_space<vmem_shared>>
    tpu.enqueue_indirect_dma source(%arg7 : memref<128x8xf32, #tpu.memory_space<vmem>>) target(%dma_start3A_8 : memref<10112x8xf32, #tpu.memory_space<vmem_shared>>) offsets(%dma_start3A_5 : memref<128xi32, #tpu.memory_space<vmem>>) semaphore(%arg10 : memref<!tpu.dma_semaphore, #tpu.memory_space<semaphore_mem>>) {add = true}
    %dma_start3A_9 = arith.constant 1 : i32
    %dma_start3A_10 = arith.constant 0 : i32
    %dma_start3A_11 = tpu.memref_slice %arg6[%dma_start3A_9, %dma_start3A_10] : memref<40x128xi32, #tpu.memory_space<vmem>> -> memref<1x128xi32, #tpu.memory_space<vmem>>
    %dma_start3A_12 = tpu.memref_squeeze %dma_start3A_11 : memref<1x128xi32, #tpu.memory_space<vmem>> -> memref<128xi32, #tpu.memory_space<vmem>>
    %dma_start3A_13 = arith.constant 0 : i32
    %dma_start3A_14 = arith.constant 0 : i32
    %dma_start3A_15 = tpu.memref_slice %arg9[%dma_start3A_13, %dma_start3A_14] : memref<10112x8xf32, #tpu.memory_space<vmem_shared>> -> memref<10112x8xf32, #tpu.memory_space<vmem_shared>>
    tpu.enqueue_indirect_dma source(%arg7 : memref<128x8xf32, #tpu.memory_space<vmem>>) target(%dma_start3A_15 : memref<10112x8xf32, #tpu.memory_space<vmem_shared>>) offsets(%dma_start3A_12 : memref<128xi32, #tpu.memory_space<vmem>>) semaphore(%arg11 : memref<!tpu.dma_semaphore, #tpu.memory_space<semaphore_mem>>) {add = true}
    %scan3A = arith.constant 0 : i32
    %scan3A_16 = arith.constant 1 : i32
    %scan3A_17 = arith.constant 19 : i32
    %scan3A_18 = arith.addi %scan3A_16, %scan3A_17 : i32
    %scan3A_19 = arith.constant 1 : i32
    scf.for %scan3A_39 = %scan3A_16 to %scan3A_18 step %scan3A_19  : i32 {
      %dma_wait3A_40 = arith.constant 0 : i32
      %dma_wait3A_41 = arith.constant 0 : i32
      %dma_wait3A_42 = tpu.memref_slice %arg6[%dma_wait3A_40, %dma_wait3A_41] : memref<40x128xi32, #tpu.memory_space<vmem>> -> memref<1x128xi32, #tpu.memory_space<vmem>>
      %dma_wait3A_43 = tpu.memref_squeeze %dma_wait3A_42 : memref<1x128xi32, #tpu.memory_space<vmem>> -> memref<128xi32, #tpu.memory_space<vmem>>
      %dma_wait3A_44 = arith.constant 0 : i32
      %dma_wait3A_45 = arith.constant 0 : i32
      %dma_wait3A_46 = tpu.memref_slice %arg9[%dma_wait3A_44, %dma_wait3A_45] : memref<10112x8xf32, #tpu.memory_space<vmem_shared>> -> memref<10112x8xf32, #tpu.memory_space<vmem_shared>>
      tpu.wait_indirect_dma semaphore(%arg10 : memref<!tpu.dma_semaphore, #tpu.memory_space<semaphore_mem>>) src(%arg7 : memref<128x8xf32, #tpu.memory_space<vmem>>) dst(%dma_wait3A_46 : memref<10112x8xf32, #tpu.memory_space<vmem_shared>>)
      %mul3A_47 = arith.constant 2 : i32
      %mul3A_48 = arith.muli %mul3A_47, %scan3A_39 : i32
      %dma_start3A_49 = arith.constant 0 : i32
      %dma_start3A_50 = tpu.memref_slice %arg6[%mul3A_48, %dma_start3A_49] : memref<40x128xi32, #tpu.memory_space<vmem>> -> memref<1x128xi32, #tpu.memory_space<vmem>>
      %dma_start3A_51 = tpu.memref_squeeze %dma_start3A_50 : memref<1x128xi32, #tpu.memory_space<vmem>> -> memref<128xi32, #tpu.memory_space<vmem>>
      %dma_start3A_52 = arith.constant 0 : i32
      %dma_start3A_53 = arith.constant 0 : i32
      %dma_start3A_54 = tpu.memref_slice %arg9[%dma_start3A_52, %dma_start3A_53] : memref<10112x8xf32, #tpu.memory_space<vmem_shared>> -> memref<10112x8xf32, #tpu.memory_space<vmem_shared>>
      tpu.enqueue_indirect_dma source(%arg7 : memref<128x8xf32, #tpu.memory_space<vmem>>) target(%dma_start3A_54 : memref<10112x8xf32, #tpu.memory_space<vmem_shared>>) offsets(%dma_start3A_51 : memref<128xi32, #tpu.memory_space<vmem>>) semaphore(%arg10 : memref<!tpu.dma_semaphore, #tpu.memory_space<semaphore_mem>>) {add = true}
      %dma_wait3A_55 = arith.constant 0 : i32
      %dma_wait3A_56 = arith.constant 0 : i32
      %dma_wait3A_57 = tpu.memref_slice %arg6[%dma_wait3A_55, %dma_wait3A_56] : memref<40x128xi32, #tpu.memory_space<vmem>> -> memref<1x128xi32, #tpu.memory_space<vmem>>
      %dma_wait3A_58 = tpu.memref_squeeze %dma_wait3A_57 : memref<1x128xi32, #tpu.memory_space<vmem>> -> memref<128xi32, #tpu.memory_space<vmem>>
      %dma_wait3A_59 = arith.constant 0 : i32
      %dma_wait3A_60 = arith.constant 0 : i32
      %dma_wait3A_61 = tpu.memref_slice %arg9[%dma_wait3A_59, %dma_wait3A_60] : memref<10112x8xf32, #tpu.memory_space<vmem_shared>> -> memref<10112x8xf32, #tpu.memory_space<vmem_shared>>
      tpu.wait_indirect_dma semaphore(%arg11 : memref<!tpu.dma_semaphore, #tpu.memory_space<semaphore_mem>>) src(%arg7 : memref<128x8xf32, #tpu.memory_space<vmem>>) dst(%dma_wait3A_61 : memref<10112x8xf32, #tpu.memory_space<vmem_shared>>)
      %mul3A_62 = arith.constant 2 : i32
      %mul3A_63 = arith.muli %mul3A_62, %scan3A_39 : i32
      %add3A_64 = arith.constant 1 : i32
      %add3A_65 = arith.addi %mul3A_63, %add3A_64 : i32
      %dma_start3A_66 = arith.constant 0 : i32
      %dma_start3A_67 = tpu.memref_slice %arg6[%add3A_65, %dma_start3A_66] : memref<40x128xi32, #tpu.memory_space<vmem>> -> memref<1x128xi32, #tpu.memory_space<vmem>>
      %dma_start3A_68 = tpu.memref_squeeze %dma_start3A_67 : memref<1x128xi32, #tpu.memory_space<vmem>> -> memref<128xi32, #tpu.memory_space<vmem>>
      %dma_start3A_69 = arith.constant 0 : i32
      %dma_start3A_70 = arith.constant 0 : i32
      %dma_start3A_71 = tpu.memref_slice %arg9[%dma_start3A_69, %dma_start3A_70] : memref<10112x8xf32, #tpu.memory_space<vmem_shared>> -> memref<10112x8xf32, #tpu.memory_space<vmem_shared>>
      tpu.enqueue_indirect_dma source(%arg7 : memref<128x8xf32, #tpu.memory_space<vmem>>) target(%dma_start3A_71 : memref<10112x8xf32, #tpu.memory_space<vmem_shared>>) offsets(%dma_start3A_68 : memref<128xi32, #tpu.memory_space<vmem>>) semaphore(%arg11 : memref<!tpu.dma_semaphore, #tpu.memory_space<semaphore_mem>>) {add = true}
    }
    %scan3A_20 = arith.constant 19 : i32
    %dma_wait3A = arith.constant 0 : i32
    %dma_wait3A_21 = arith.constant 0 : i32
    %dma_wait3A_22 = tpu.memref_slice %arg6[%dma_wait3A, %dma_wait3A_21] : memref<40x128xi32, #tpu.memory_space<vmem>> -> memref<1x128xi32, #tpu.memory_space<vmem>>
    %dma_wait3A_23 = tpu.memref_squeeze %dma_wait3A_22 : memref<1x128xi32, #tpu.memory_space<vmem>> -> memref<128xi32, #tpu.memory_space<vmem>>
    %dma_wait3A_24 = arith.constant 0 : i32
    %dma_wait3A_25 = arith.constant 0 : i32
    %dma_wait3A_26 = tpu.memref_slice %arg9[%dma_wait3A_24, %dma_wait3A_25] : memref<10112x8xf32, #tpu.memory_space<vmem_shared>> -> memref<10112x8xf32, #tpu.memory_space<vmem_shared>>
    tpu.wait_indirect_dma semaphore(%arg10 : memref<!tpu.dma_semaphore, #tpu.memory_space<semaphore_mem>>) src(%arg7 : memref<128x8xf32, #tpu.memory_space<vmem>>) dst(%dma_wait3A_26 : memref<10112x8xf32, #tpu.memory_space<vmem_shared>>)
    %dma_wait3A_27 = arith.constant 0 : i32
    %dma_wait3A_28 = arith.constant 0 : i32
    %dma_wait3A_29 = tpu.memref_slice %arg6[%dma_wait3A_27, %dma_wait3A_28] : memref<40x128xi32, #tpu.memory_space<vmem>> -> memref<1x128xi32, #tpu.memory_space<vmem>>
    %dma_wait3A_30 = tpu.memref_squeeze %dma_wait3A_29 : memref<1x128xi32, #tpu.memory_space<vmem>> -> memref<128xi32, #tpu.memory_space<vmem>>
    %dma_wait3A_31 = arith.constant 0 : i32
    %dma_wait3A_32 = arith.constant 0 : i32
    %dma_wait3A_33 = tpu.memref_slice %arg9[%dma_wait3A_31, %dma_wait3A_32] : memref<10112x8xf32, #tpu.memory_space<vmem_shared>> -> memref<10112x8xf32, #tpu.memory_space<vmem_shared>>
    tpu.wait_indirect_dma semaphore(%arg11 : memref<!tpu.dma_semaphore, #tpu.memory_space<semaphore_mem>>) src(%arg7 : memref<128x8xf32, #tpu.memory_space<vmem>>) dst(%dma_wait3A_33 : memref<10112x8xf32, #tpu.memory_space<vmem_shared>>)
    %barrier3A_34 = arith.constant 0 : index
    tpu.barrier barrier_id(%barrier3A_34)
    %mul3A_35 = arith.constant 632 : i32
    %mul3A_36 = arith.muli %arg1, %mul3A_35 : i32
    %mul3A_37 = arith.constant 632 : i32
    %mul3A_38 = arith.muli %arg1, %mul3A_37 : i32
    "tpu.region"() ({
      %run_scoped3A_39 = tpu.sem_alloc : memref<!tpu.dma_semaphore, #tpu.memory_space<semaphore_mem>>
      %dma_start3A_40 = arith.constant 0 : i32
      %dma_start3A_41 = tpu.memref_slice %arg5[%arg0, %mul3A_38, %dma_start3A_40] : memref<2x10112x8xf32, #tpu.memory_space<hbm>> -> memref<1x632x8xf32, #tpu.memory_space<hbm>>
      %dma_start3A_42 = tpu.memref_squeeze %dma_start3A_41 : memref<1x632x8xf32, #tpu.memory_space<hbm>> -> memref<632x8xf32, #tpu.memory_space<hbm>>
      %dma_start3A_43 = arith.constant 0 : i32
      %dma_start3A_44 = tpu.memref_slice %arg9[%mul3A_36, %dma_start3A_43] : memref<10112x8xf32, #tpu.memory_space<vmem_shared>> -> memref<632x8xf32, #tpu.memory_space<vmem_shared>>
      tpu.enqueue_dma source(%dma_start3A_44 : memref<632x8xf32, #tpu.memory_space<vmem_shared>>) target(%dma_start3A_42 : memref<632x8xf32, #tpu.memory_space<hbm>>) target_semaphore(%run_scoped3A_39 : memref<!tpu.dma_semaphore, #tpu.memory_space<semaphore_mem>>)
      %dma_wait3A_45 = arith.constant 0 : i32
      %dma_wait3A_46 = tpu.memref_slice %arg5[%arg0, %mul3A_38, %dma_wait3A_45] : memref<2x10112x8xf32, #tpu.memory_space<hbm>> -> memref<1x632x8xf32, #tpu.memory_space<hbm>>
      %dma_wait3A_47 = tpu.memref_squeeze %dma_wait3A_46 : memref<1x632x8xf32, #tpu.memory_space<hbm>> -> memref<632x8xf32, #tpu.memory_space<hbm>>
      %dma_wait3A_48 = arith.constant 0 : i32
      %dma_wait3A_49 = tpu.memref_slice %arg9[%mul3A_36, %dma_wait3A_48] : memref<10112x8xf32, #tpu.memory_space<vmem_shared>> -> memref<632x8xf32, #tpu.memory_space<vmem_shared>>
      tpu.wait_dma2 semaphore(%run_scoped3A_39 : memref<!tpu.dma_semaphore, #tpu.memory_space<semaphore_mem>>) src(%dma_wait3A_49 : memref<632x8xf32, #tpu.memory_space<vmem_shared>>) dst(%dma_wait3A_47 : memref<632x8xf32, #tpu.memory_space<hbm>>)
      tpu.yield
    }) : () -> ()
    return
  }
}

#map = affine_map<(d0, d1) -> (0, 0)>
#map1 = affine_map<(d0, d1) -> (0, 0, 0, 0)>
#map2 = affine_map<(d0, d1) -> (0, 0, 0)>
module attributes {stable_mosaic.version = 14 : i64} {
  func.func @k(%arg0: i32, %arg1: i32, %arg2: memref<10112x16xf32, #tpu.memory_space<hbm>>, %arg3: memref<2x32x40x128xi32, #tpu.memory_space<hbm>>, %arg4: memref<632x16xf32, #tpu.memory_space<hbm>>, %arg5: memref<2x10112x16xf32, #tpu.memory_space<hbm>>, %arg6: memref<40x128xi32, #tpu.memory_space<vmem>>, %arg7: memref<40x128xi32, #tpu.memory_space<vmem>>, %arg8: memref<128x16xf32, #tpu.memory_space<vmem>>, %arg9: memref<128x16xf32, #tpu.memory_space<vmem>>, %arg10: memref<10112x16xf32, #tpu.memory_space<vmem_shared>>, %arg11: memref<!tpu.dma_semaphore, #tpu.memory_space<semaphore_mem>>, %arg12: memref<!tpu.dma_semaphore, #tpu.memory_space<semaphore_mem>>) attributes {dimension_semantics = [#tpu.dimension_semantics<core_parallel>, #tpu.dimension_semantics<subcore_parallel>], iteration_bounds = array<i64: 2, 16>, scalar_prefetch = 0 : i64, scratch_operands = 7 : i64, tpu.core_type = #tpu.core_type<sc_vector_subcore>, window_params = [{transform_indices = #map}, {transform_indices = #map1}, {transform_indices = #map}, {transform_indices = #map2}]} {
    %mul3A = arith.constant 16 : i32
    %mul3A_0 = arith.muli %arg0, %mul3A : i32
    %add3A = arith.addi %mul3A_0, %arg1 : i32
    %mul3A_1 = arith.constant 632 : i32
    %mul3A_2 = arith.muli %arg1, %mul3A_1 : i32
    "tpu.region"() ({
      %run_scoped3A_26 = tpu.sem_alloc : memref<!tpu.dma_semaphore, #tpu.memory_space<semaphore_mem>>
      %dma_start3A_27 = arith.constant 0 : i32
      %dma_start3A_28 = tpu.memref_slice %arg10[%mul3A_2, %dma_start3A_27] : memref<10112x16xf32, #tpu.memory_space<vmem_shared>> -> memref<632x16xf32, #tpu.memory_space<vmem_shared>>
      tpu.enqueue_dma source(%arg4 : memref<632x16xf32, #tpu.memory_space<hbm>>) target(%dma_start3A_28 : memref<632x16xf32, #tpu.memory_space<vmem_shared>>) target_semaphore(%run_scoped3A_26 : memref<!tpu.dma_semaphore, #tpu.memory_space<semaphore_mem>>)
      %dma_wait3A_29 = arith.constant 0 : i32
      %dma_wait3A_30 = tpu.memref_slice %arg10[%mul3A_2, %dma_wait3A_29] : memref<10112x16xf32, #tpu.memory_space<vmem_shared>> -> memref<632x16xf32, #tpu.memory_space<vmem_shared>>
      tpu.wait_dma2 semaphore(%run_scoped3A_26 : memref<!tpu.dma_semaphore, #tpu.memory_space<semaphore_mem>>) src(%arg4 : memref<632x16xf32, #tpu.memory_space<hbm>>) dst(%dma_wait3A_30 : memref<632x16xf32, #tpu.memory_space<vmem_shared>>)
      tpu.yield
    }) : () -> ()
    %run_scoped3A = arith.constant 1 : i32
    "tpu.region"() ({
      %run_scoped3A_26 = tpu.sem_alloc : memref<!tpu.dma_semaphore, #tpu.memory_space<semaphore_mem>>
      %dma_start3A_27 = arith.constant 0 : i32
      %dma_start3A_28 = arith.constant 0 : i32
      %dma_start3A_29 = tpu.memref_slice %arg3[%run_scoped3A, %add3A, %dma_start3A_27, %dma_start3A_28] : memref<2x32x40x128xi32, #tpu.memory_space<hbm>> -> memref<1x1x40x128xi32, #tpu.memory_space<hbm>>
      %dma_start3A_30 = tpu.memref_squeeze %dma_start3A_29 : memref<1x1x40x128xi32, #tpu.memory_space<hbm>> -> memref<40x128xi32, #tpu.memory_space<hbm>>
      %dma_start3A_31 = arith.constant 0 : i32
      %dma_start3A_32 = arith.constant 0 : i32
      %dma_start3A_33 = tpu.memref_slice %arg3[%run_scoped3A, %add3A, %dma_start3A_31, %dma_start3A_32] : memref<2x32x40x128xi32, #tpu.memory_space<hbm>> -> memref<1x1x40x128xi32, #tpu.memory_space<hbm>>
      %dma_start3A_34 = tpu.memref_squeeze %dma_start3A_33 : memref<1x1x40x128xi32, #tpu.memory_space<hbm>> -> memref<40x128xi32, #tpu.memory_space<hbm>>
      tpu.enqueue_dma source(%dma_start3A_34 : memref<40x128xi32, #tpu.memory_space<hbm>>) target(%arg7 : memref<40x128xi32, #tpu.memory_space<vmem>>) target_semaphore(%run_scoped3A_26 : memref<!tpu.dma_semaphore, #tpu.memory_space<semaphore_mem>>)
      %dma_wait3A_35 = arith.constant 0 : i32
      %dma_wait3A_36 = arith.constant 0 : i32
      %dma_wait3A_37 = tpu.memref_slice %arg3[%run_scoped3A, %add3A, %dma_wait3A_35, %dma_wait3A_36] : memref<2x32x40x128xi32, #tpu.memory_space<hbm>> -> memref<1x1x40x128xi32, #tpu.memory_space<hbm>>
      %dma_wait3A_38 = tpu.memref_squeeze %dma_wait3A_37 : memref<1x1x40x128xi32, #tpu.memory_space<hbm>> -> memref<40x128xi32, #tpu.memory_space<hbm>>
      %dma_wait3A_39 = arith.constant 0 : i32
      %dma_wait3A_40 = arith.constant 0 : i32
      %dma_wait3A_41 = tpu.memref_slice %arg3[%run_scoped3A, %add3A, %dma_wait3A_39, %dma_wait3A_40] : memref<2x32x40x128xi32, #tpu.memory_space<hbm>> -> memref<1x1x40x128xi32, #tpu.memory_space<hbm>>
      %dma_wait3A_42 = tpu.memref_squeeze %dma_wait3A_41 : memref<1x1x40x128xi32, #tpu.memory_space<hbm>> -> memref<40x128xi32, #tpu.memory_space<hbm>>
      tpu.wait_dma2 semaphore(%run_scoped3A_26 : memref<!tpu.dma_semaphore, #tpu.memory_space<semaphore_mem>>) src(%dma_wait3A_42 : memref<40x128xi32, #tpu.memory_space<hbm>>) dst(%arg7 : memref<40x128xi32, #tpu.memory_space<vmem>>)
      tpu.yield
    }) : () -> ()
    %run_scoped3A_3 = arith.constant 0 : i32
    "tpu.region"() ({
      %run_scoped3A_26 = tpu.sem_alloc : memref<!tpu.dma_semaphore, #tpu.memory_space<semaphore_mem>>
      %dma_start3A_27 = arith.constant 0 : i32
      %dma_start3A_28 = arith.constant 0 : i32
      %dma_start3A_29 = tpu.memref_slice %arg3[%run_scoped3A_3, %add3A, %dma_start3A_27, %dma_start3A_28] : memref<2x32x40x128xi32, #tpu.memory_space<hbm>> -> memref<1x1x40x128xi32, #tpu.memory_space<hbm>>
      %dma_start3A_30 = tpu.memref_squeeze %dma_start3A_29 : memref<1x1x40x128xi32, #tpu.memory_space<hbm>> -> memref<40x128xi32, #tpu.memory_space<hbm>>
      %dma_start3A_31 = arith.constant 0 : i32
      %dma_start3A_32 = arith.constant 0 : i32
      %dma_start3A_33 = tpu.memref_slice %arg3[%run_scoped3A_3, %add3A, %dma_start3A_31, %dma_start3A_32] : memref<2x32x40x128xi32, #tpu.memory_space<hbm>> -> memref<1x1x40x128xi32, #tpu.memory_space<hbm>>
      %dma_start3A_34 = tpu.memref_squeeze %dma_start3A_33 : memref<1x1x40x128xi32, #tpu.memory_space<hbm>> -> memref<40x128xi32, #tpu.memory_space<hbm>>
      tpu.enqueue_dma source(%dma_start3A_34 : memref<40x128xi32, #tpu.memory_space<hbm>>) target(%arg6 : memref<40x128xi32, #tpu.memory_space<vmem>>) target_semaphore(%run_scoped3A_26 : memref<!tpu.dma_semaphore, #tpu.memory_space<semaphore_mem>>)
      %dma_wait3A_35 = arith.constant 0 : i32
      %dma_wait3A_36 = arith.constant 0 : i32
      %dma_wait3A_37 = tpu.memref_slice %arg3[%run_scoped3A_3, %add3A, %dma_wait3A_35, %dma_wait3A_36] : memref<2x32x40x128xi32, #tpu.memory_space<hbm>> -> memref<1x1x40x128xi32, #tpu.memory_space<hbm>>
      %dma_wait3A_38 = tpu.memref_squeeze %dma_wait3A_37 : memref<1x1x40x128xi32, #tpu.memory_space<hbm>> -> memref<40x128xi32, #tpu.memory_space<hbm>>
      %dma_wait3A_39 = arith.constant 0 : i32
      %dma_wait3A_40 = arith.constant 0 : i32
      %dma_wait3A_41 = tpu.memref_slice %arg3[%run_scoped3A_3, %add3A, %dma_wait3A_39, %dma_wait3A_40] : memref<2x32x40x128xi32, #tpu.memory_space<hbm>> -> memref<1x1x40x128xi32, #tpu.memory_space<hbm>>
      %dma_wait3A_42 = tpu.memref_squeeze %dma_wait3A_41 : memref<1x1x40x128xi32, #tpu.memory_space<hbm>> -> memref<40x128xi32, #tpu.memory_space<hbm>>
      tpu.wait_dma2 semaphore(%run_scoped3A_26 : memref<!tpu.dma_semaphore, #tpu.memory_space<semaphore_mem>>) src(%dma_wait3A_42 : memref<40x128xi32, #tpu.memory_space<hbm>>) dst(%arg6 : memref<40x128xi32, #tpu.memory_space<vmem>>)
      tpu.yield
    }) : () -> ()
    %barrier3A = arith.constant 0 : index
    tpu.barrier barrier_id(%barrier3A)
    %dma_start3A = arith.constant 0 : i32
    %dma_start3A_4 = arith.constant 0 : i32
    %dma_start3A_5 = tpu.memref_slice %arg6[%dma_start3A, %dma_start3A_4] : memref<40x128xi32, #tpu.memory_space<vmem>> -> memref<1x128xi32, #tpu.memory_space<vmem>>
    %dma_start3A_6 = tpu.memref_squeeze %dma_start3A_5 : memref<1x128xi32, #tpu.memory_space<vmem>> -> memref<128xi32, #tpu.memory_space<vmem>>
    %dma_start3A_7 = arith.constant 0 : i32
    %dma_start3A_8 = arith.constant 0 : i32
    %dma_start3A_9 = tpu.memref_slice %arg2[%dma_start3A_7, %dma_start3A_8] : memref<10112x16xf32, #tpu.memory_space<hbm>> -> memref<10112x16xf32, #tpu.memory_space<hbm>>
    tpu.enqueue_indirect_dma source(%dma_start3A_9 : memref<10112x16xf32, #tpu.memory_space<hbm>>) target(%arg8 : memref<128x16xf32, #tpu.memory_space<vmem>>) offsets(%dma_start3A_6 : memref<128xi32, #tpu.memory_space<vmem>>) semaphore(%arg11 : memref<!tpu.dma_semaphore, #tpu.memory_space<semaphore_mem>>)
    %scan3A = arith.constant 0 : i32
    %scan3A_10 = arith.constant 0 : i32
    %scan3A_11 = arith.constant 20 : i32
    %scan3A_12 = arith.addi %scan3A_10, %scan3A_11 : i32
    %scan3A_13 = arith.constant 1 : i32
    scf.for %scan3A_26 = %scan3A_10 to %scan3A_12 step %scan3A_13  : i32 {
      %mul3A_27 = arith.constant 2 : i32
      %mul3A_28 = arith.muli %mul3A_27, %scan3A_26 : i32
      %dma_wait3A_29 = arith.constant 0 : i32
      %dma_wait3A_30 = arith.constant 0 : i32
      %dma_wait3A_31 = tpu.memref_slice %arg6[%dma_wait3A_29, %dma_wait3A_30] : memref<40x128xi32, #tpu.memory_space<vmem>> -> memref<1x128xi32, #tpu.memory_space<vmem>>
      %dma_wait3A_32 = tpu.memref_squeeze %dma_wait3A_31 : memref<1x128xi32, #tpu.memory_space<vmem>> -> memref<128xi32, #tpu.memory_space<vmem>>
      %dma_wait3A_33 = arith.constant 0 : i32
      %dma_wait3A_34 = arith.constant 0 : i32
      %dma_wait3A_35 = tpu.memref_slice %arg2[%dma_wait3A_33, %dma_wait3A_34] : memref<10112x16xf32, #tpu.memory_space<hbm>> -> memref<10112x16xf32, #tpu.memory_space<hbm>>
      tpu.wait_indirect_dma semaphore(%arg11 : memref<!tpu.dma_semaphore, #tpu.memory_space<semaphore_mem>>) src(%dma_wait3A_35 : memref<10112x16xf32, #tpu.memory_space<hbm>>) dst(%arg8 : memref<128x16xf32, #tpu.memory_space<vmem>>)
      %add3A_36 = arith.constant 1 : i32
      %add3A_37 = arith.addi %mul3A_28, %add3A_36 : i32
      %dma_start3A_38 = arith.constant 0 : i32
      %dma_start3A_39 = tpu.memref_slice %arg6[%add3A_37, %dma_start3A_38] : memref<40x128xi32, #tpu.memory_space<vmem>> -> memref<1x128xi32, #tpu.memory_space<vmem>>
      %dma_start3A_40 = tpu.memref_squeeze %dma_start3A_39 : memref<1x128xi32, #tpu.memory_space<vmem>> -> memref<128xi32, #tpu.memory_space<vmem>>
      %dma_start3A_41 = arith.constant 0 : i32
      %dma_start3A_42 = arith.constant 0 : i32
      %dma_start3A_43 = tpu.memref_slice %arg2[%dma_start3A_41, %dma_start3A_42] : memref<10112x16xf32, #tpu.memory_space<hbm>> -> memref<10112x16xf32, #tpu.memory_space<hbm>>
      tpu.enqueue_indirect_dma source(%dma_start3A_43 : memref<10112x16xf32, #tpu.memory_space<hbm>>) target(%arg9 : memref<128x16xf32, #tpu.memory_space<vmem>>) offsets(%dma_start3A_40 : memref<128xi32, #tpu.memory_space<vmem>>) semaphore(%arg12 : memref<!tpu.dma_semaphore, #tpu.memory_space<semaphore_mem>>)
      "tpu.region"() ({
        %run_scoped3A_62 = tpu.sem_alloc : memref<!tpu.dma_semaphore, #tpu.memory_space<semaphore_mem>>
        %dma_start3A_63 = arith.constant 0 : i32
        %dma_start3A_64 = tpu.memref_slice %arg7[%mul3A_28, %dma_start3A_63] : memref<40x128xi32, #tpu.memory_space<vmem>> -> memref<1x128xi32, #tpu.memory_space<vmem>>
        %dma_start3A_65 = tpu.memref_squeeze %dma_start3A_64 : memref<1x128xi32, #tpu.memory_space<vmem>> -> memref<128xi32, #tpu.memory_space<vmem>>
        %dma_start3A_66 = arith.constant 0 : i32
        %dma_start3A_67 = arith.constant 0 : i32
        %dma_start3A_68 = tpu.memref_slice %arg10[%dma_start3A_66, %dma_start3A_67] : memref<10112x16xf32, #tpu.memory_space<vmem_shared>> -> memref<10112x16xf32, #tpu.memory_space<vmem_shared>>
        tpu.enqueue_indirect_dma source(%arg8 : memref<128x16xf32, #tpu.memory_space<vmem>>) target(%dma_start3A_68 : memref<10112x16xf32, #tpu.memory_space<vmem_shared>>) offsets(%dma_start3A_65 : memref<128xi32, #tpu.memory_space<vmem>>) semaphore(%run_scoped3A_62 : memref<!tpu.dma_semaphore, #tpu.memory_space<semaphore_mem>>) {add = true}
        %dma_wait3A_69 = arith.constant 0 : i32
        %dma_wait3A_70 = tpu.memref_slice %arg7[%mul3A_28, %dma_wait3A_69] : memref<40x128xi32, #tpu.memory_space<vmem>> -> memref<1x128xi32, #tpu.memory_space<vmem>>
        %dma_wait3A_71 = tpu.memref_squeeze %dma_wait3A_70 : memref<1x128xi32, #tpu.memory_space<vmem>> -> memref<128xi32, #tpu.memory_space<vmem>>
        %dma_wait3A_72 = arith.constant 0 : i32
        %dma_wait3A_73 = arith.constant 0 : i32
        %dma_wait3A_74 = tpu.memref_slice %arg10[%dma_wait3A_72, %dma_wait3A_73] : memref<10112x16xf32, #tpu.memory_space<vmem_shared>> -> memref<10112x16xf32, #tpu.memory_space<vmem_shared>>
        tpu.wait_indirect_dma semaphore(%run_scoped3A_62 : memref<!tpu.dma_semaphore, #tpu.memory_space<semaphore_mem>>) src(%arg8 : memref<128x16xf32, #tpu.memory_space<vmem>>) dst(%dma_wait3A_74 : memref<10112x16xf32, #tpu.memory_space<vmem_shared>>)
        tpu.yield
      }) : () -> ()
      %dma_wait3A_44 = arith.constant 0 : i32
      %dma_wait3A_45 = arith.constant 0 : i32
      %dma_wait3A_46 = tpu.memref_slice %arg6[%dma_wait3A_44, %dma_wait3A_45] : memref<40x128xi32, #tpu.memory_space<vmem>> -> memref<1x128xi32, #tpu.memory_space<vmem>>
      %dma_wait3A_47 = tpu.memref_squeeze %dma_wait3A_46 : memref<1x128xi32, #tpu.memory_space<vmem>> -> memref<128xi32, #tpu.memory_space<vmem>>
      %dma_wait3A_48 = arith.constant 0 : i32
      %dma_wait3A_49 = arith.constant 0 : i32
      %dma_wait3A_50 = tpu.memref_slice %arg2[%dma_wait3A_48, %dma_wait3A_49] : memref<10112x16xf32, #tpu.memory_space<hbm>> -> memref<10112x16xf32, #tpu.memory_space<hbm>>
      tpu.wait_indirect_dma semaphore(%arg12 : memref<!tpu.dma_semaphore, #tpu.memory_space<semaphore_mem>>) src(%dma_wait3A_50 : memref<10112x16xf32, #tpu.memory_space<hbm>>) dst(%arg9 : memref<128x16xf32, #tpu.memory_space<vmem>>)
      %add3A_51 = arith.constant 2 : i32
      %add3A_52 = arith.addi %mul3A_28, %add3A_51 : i32
      %min3A = arith.constant 39 : i32
      %min3A_53 = arith.minsi %add3A_52, %min3A : i32
      %dma_start3A_54 = arith.constant 0 : i32
      %dma_start3A_55 = tpu.memref_slice %arg6[%min3A_53, %dma_start3A_54] : memref<40x128xi32, #tpu.memory_space<vmem>> -> memref<1x128xi32, #tpu.memory_space<vmem>>
      %dma_start3A_56 = tpu.memref_squeeze %dma_start3A_55 : memref<1x128xi32, #tpu.memory_space<vmem>> -> memref<128xi32, #tpu.memory_space<vmem>>
      %dma_start3A_57 = arith.constant 0 : i32
      %dma_start3A_58 = arith.constant 0 : i32
      %dma_start3A_59 = tpu.memref_slice %arg2[%dma_start3A_57, %dma_start3A_58] : memref<10112x16xf32, #tpu.memory_space<hbm>> -> memref<10112x16xf32, #tpu.memory_space<hbm>>
      tpu.enqueue_indirect_dma source(%dma_start3A_59 : memref<10112x16xf32, #tpu.memory_space<hbm>>) target(%arg8 : memref<128x16xf32, #tpu.memory_space<vmem>>) offsets(%dma_start3A_56 : memref<128xi32, #tpu.memory_space<vmem>>) semaphore(%arg11 : memref<!tpu.dma_semaphore, #tpu.memory_space<semaphore_mem>>)
      %add3A_60 = arith.constant 1 : i32
      %add3A_61 = arith.addi %mul3A_28, %add3A_60 : i32
      "tpu.region"() ({
        %run_scoped3A_62 = tpu.sem_alloc : memref<!tpu.dma_semaphore, #tpu.memory_space<semaphore_mem>>
        %dma_start3A_63 = arith.constant 0 : i32
        %dma_start3A_64 = tpu.memref_slice %arg7[%add3A_61, %dma_start3A_63] : memref<40x128xi32, #tpu.memory_space<vmem>> -> memref<1x128xi32, #tpu.memory_space<vmem>>
        %dma_start3A_65 = tpu.memref_squeeze %dma_start3A_64 : memref<1x128xi32, #tpu.memory_space<vmem>> -> memref<128xi32, #tpu.memory_space<vmem>>
        %dma_start3A_66 = arith.constant 0 : i32
        %dma_start3A_67 = arith.constant 0 : i32
        %dma_start3A_68 = tpu.memref_slice %arg10[%dma_start3A_66, %dma_start3A_67] : memref<10112x16xf32, #tpu.memory_space<vmem_shared>> -> memref<10112x16xf32, #tpu.memory_space<vmem_shared>>
        tpu.enqueue_indirect_dma source(%arg9 : memref<128x16xf32, #tpu.memory_space<vmem>>) target(%dma_start3A_68 : memref<10112x16xf32, #tpu.memory_space<vmem_shared>>) offsets(%dma_start3A_65 : memref<128xi32, #tpu.memory_space<vmem>>) semaphore(%run_scoped3A_62 : memref<!tpu.dma_semaphore, #tpu.memory_space<semaphore_mem>>) {add = true}
        %dma_wait3A_69 = arith.constant 0 : i32
        %dma_wait3A_70 = tpu.memref_slice %arg7[%add3A_61, %dma_wait3A_69] : memref<40x128xi32, #tpu.memory_space<vmem>> -> memref<1x128xi32, #tpu.memory_space<vmem>>
        %dma_wait3A_71 = tpu.memref_squeeze %dma_wait3A_70 : memref<1x128xi32, #tpu.memory_space<vmem>> -> memref<128xi32, #tpu.memory_space<vmem>>
        %dma_wait3A_72 = arith.constant 0 : i32
        %dma_wait3A_73 = arith.constant 0 : i32
        %dma_wait3A_74 = tpu.memref_slice %arg10[%dma_wait3A_72, %dma_wait3A_73] : memref<10112x16xf32, #tpu.memory_space<vmem_shared>> -> memref<10112x16xf32, #tpu.memory_space<vmem_shared>>
        tpu.wait_indirect_dma semaphore(%run_scoped3A_62 : memref<!tpu.dma_semaphore, #tpu.memory_space<semaphore_mem>>) src(%arg9 : memref<128x16xf32, #tpu.memory_space<vmem>>) dst(%dma_wait3A_74 : memref<10112x16xf32, #tpu.memory_space<vmem_shared>>)
        tpu.yield
      }) : () -> ()
    }
    %scan3A_14 = arith.constant 20 : i32
    %dma_wait3A = arith.constant 0 : i32
    %dma_wait3A_15 = arith.constant 0 : i32
    %dma_wait3A_16 = tpu.memref_slice %arg6[%dma_wait3A, %dma_wait3A_15] : memref<40x128xi32, #tpu.memory_space<vmem>> -> memref<1x128xi32, #tpu.memory_space<vmem>>
    %dma_wait3A_17 = tpu.memref_squeeze %dma_wait3A_16 : memref<1x128xi32, #tpu.memory_space<vmem>> -> memref<128xi32, #tpu.memory_space<vmem>>
    %dma_wait3A_18 = arith.constant 0 : i32
    %dma_wait3A_19 = arith.constant 0 : i32
    %dma_wait3A_20 = tpu.memref_slice %arg2[%dma_wait3A_18, %dma_wait3A_19] : memref<10112x16xf32, #tpu.memory_space<hbm>> -> memref<10112x16xf32, #tpu.memory_space<hbm>>
    tpu.wait_indirect_dma semaphore(%arg11 : memref<!tpu.dma_semaphore, #tpu.memory_space<semaphore_mem>>) src(%dma_wait3A_20 : memref<10112x16xf32, #tpu.memory_space<hbm>>) dst(%arg8 : memref<128x16xf32, #tpu.memory_space<vmem>>)
    %barrier3A_21 = arith.constant 0 : index
    tpu.barrier barrier_id(%barrier3A_21)
    %mul3A_22 = arith.constant 632 : i32
    %mul3A_23 = arith.muli %arg1, %mul3A_22 : i32
    %mul3A_24 = arith.constant 632 : i32
    %mul3A_25 = arith.muli %arg1, %mul3A_24 : i32
    "tpu.region"() ({
      %run_scoped3A_26 = tpu.sem_alloc : memref<!tpu.dma_semaphore, #tpu.memory_space<semaphore_mem>>
      %dma_start3A_27 = arith.constant 0 : i32
      %dma_start3A_28 = tpu.memref_slice %arg5[%arg0, %mul3A_25, %dma_start3A_27] : memref<2x10112x16xf32, #tpu.memory_space<hbm>> -> memref<1x632x16xf32, #tpu.memory_space<hbm>>
      %dma_start3A_29 = tpu.memref_squeeze %dma_start3A_28 : memref<1x632x16xf32, #tpu.memory_space<hbm>> -> memref<632x16xf32, #tpu.memory_space<hbm>>
      %dma_start3A_30 = arith.constant 0 : i32
      %dma_start3A_31 = tpu.memref_slice %arg10[%mul3A_23, %dma_start3A_30] : memref<10112x16xf32, #tpu.memory_space<vmem_shared>> -> memref<632x16xf32, #tpu.memory_space<vmem_shared>>
      tpu.enqueue_dma source(%dma_start3A_31 : memref<632x16xf32, #tpu.memory_space<vmem_shared>>) target(%dma_start3A_29 : memref<632x16xf32, #tpu.memory_space<hbm>>) target_semaphore(%run_scoped3A_26 : memref<!tpu.dma_semaphore, #tpu.memory_space<semaphore_mem>>)
      %dma_wait3A_32 = arith.constant 0 : i32
      %dma_wait3A_33 = tpu.memref_slice %arg5[%arg0, %mul3A_25, %dma_wait3A_32] : memref<2x10112x16xf32, #tpu.memory_space<hbm>> -> memref<1x632x16xf32, #tpu.memory_space<hbm>>
      %dma_wait3A_34 = tpu.memref_squeeze %dma_wait3A_33 : memref<1x632x16xf32, #tpu.memory_space<hbm>> -> memref<632x16xf32, #tpu.memory_space<hbm>>
      %dma_wait3A_35 = arith.constant 0 : i32
      %dma_wait3A_36 = tpu.memref_slice %arg10[%mul3A_23, %dma_wait3A_35] : memref<10112x16xf32, #tpu.memory_space<vmem_shared>> -> memref<632x16xf32, #tpu.memory_space<vmem_shared>>
      tpu.wait_dma2 semaphore(%run_scoped3A_26 : memref<!tpu.dma_semaphore, #tpu.memory_space<semaphore_mem>>) src(%dma_wait3A_36 : memref<632x16xf32, #tpu.memory_space<vmem_shared>>) dst(%dma_wait3A_34 : memref<632x16xf32, #tpu.memory_space<hbm>>)
      tpu.yield
    }) : () -> ()
    return
  }
}

module attributes {stable_mosaic.version = 14 : i64} {
  func.func @body(%arg0: i32, %arg1: memref<10000x128xf32, #tpu.memory_space<vmem>>, %arg2: memref<128x32xf32, #tpu.memory_space<vmem>>, %arg3: memref<2x10112x8xf32, #tpu.memory_space<vmem>>, %arg4: memref<10112x32xf32, #tpu.memory_space<vmem>>) attributes {dimension_semantics = [#tpu.dimension_semantics<arbitrary>], iteration_bounds = array<i64: 1>, scalar_prefetch = 0 : i64, scratch_operands = 0 : i64, tpu.core_type = #tpu.core_type<tc>, window_params = [{pipeline_mode = #tpu.pipeline_mode<synchronous>, transform_indices = @transform_0, window_bounds = array<i64: 10000, 128>}, {pipeline_mode = #tpu.pipeline_mode<synchronous>, transform_indices = @transform_1, window_bounds = array<i64: 128, 32>}, {pipeline_mode = #tpu.pipeline_mode<synchronous>, transform_indices = @transform_2, window_bounds = array<i64: 2, 10112, 8>}, {pipeline_mode = #tpu.pipeline_mode<synchronous>, transform_indices = @transform_3, window_bounds = array<i64: 10112, 32>}]} {
    %get3A = arith.constant 0 : index
    %get3A_0 = arith.constant 0 : index
    %get3A_1 = arith.constant 0 : index
    %get3A_2 = vector.load %arg3[%get3A, %get3A_0, %get3A_1] : memref<2x10112x8xf32, #tpu.memory_space<vmem>>, vector<2x10112x8xf32>
    %slice3A = vector.extract_strided_slice %get3A_2 {offsets = [0, 0, 0], sizes = [1, 10000, 1], strides = [1, 1, 1]} : vector<2x10112x8xf32> to vector<1x10000x1xf32>
    %squeeze3A = vector.shape_cast %slice3A : vector<1x10000x1xf32> to vector<10000x1xf32>
    %slice3A_3 = vector.extract_strided_slice %get3A_2 {offsets = [1, 0, 0], sizes = [1, 10000, 1], strides = [1, 1, 1]} : vector<2x10112x8xf32> to vector<1x10000x1xf32>
    %squeeze3A_4 = vector.shape_cast %slice3A_3 : vector<1x10000x1xf32> to vector<10000x1xf32>
    %add3A = arith.addf %squeeze3A, %squeeze3A_4 : vector<10000x1xf32>
    %add3A_5 = arith.constant 1.000000e+00 : f32
    %add3A_6 = vector.broadcast %add3A_5 : f32 to vector<10000x1xf32>
    %add3A_7 = arith.addf %add3A, %add3A_6 : vector<10000x1xf32>
    %max3A = arith.constant 1.000000e+00 : f32
    %max3A_8 = vector.broadcast %max3A : f32 to vector<10000x1xf32>
    %max3A_9 = arith.maximumf %add3A_7, %max3A_8 : vector<10000x1xf32>
    %rsqrt3A = math.rsqrt %max3A_9 : vector<10000x1xf32>
    %get3A_10 = arith.constant 0 : index
    %get3A_11 = arith.constant 0 : index
    %get3A_12 = vector.load %arg1[%get3A_10, %get3A_11] : memref<10000x128xf32, #tpu.memory_space<vmem>>, vector<10000x128xf32>
    %get3A_13 = arith.constant 0 : index
    %get3A_14 = arith.constant 0 : index
    %get3A_15 = vector.load %arg2[%get3A_13, %get3A_14] : memref<128x32xf32, #tpu.memory_space<vmem>>, vector<128x32xf32>
    %dot_general3A = arith.constant dense<0.000000e+00> : vector<10000x32xf32>
    %dot_general3A_16 = tpu.matmul %get3A_12, %get3A_15, %dot_general3A {dimension_numbers = #tpu.dot_dimension_numbers<[1], [0], [0], [1], [0, 0, 1, 1], [], []>, transpose_lhs_hint = false} : vector<10000x128xf32>, vector<128x32xf32>, vector<10000x32xf32> -> vector<10000x32xf32>
    %mul3A = vector.broadcast %rsqrt3A : vector<10000x1xf32> to vector<10000x32xf32>
    %mul3A_17 = arith.mulf %dot_general3A_16, %mul3A : vector<10000x32xf32>
    %broadcast_in_dim3A = arith.constant 0.000000e+00 : f32
    %broadcast_in_dim3A_18 = vector.broadcast %broadcast_in_dim3A : f32 to vector<112x32xf32>
    %concatenate3A = tpu.concatenate %mul3A_17, %broadcast_in_dim3A_18 in 0 : vector<10000x32xf32>, vector<112x32xf32> -> vector<10112x32xf32>
    %swap3A = arith.constant 0 : index
    %swap3A_19 = arith.constant 0 : index
    %swap3A_20 = vector.load %arg4[%swap3A, %swap3A_19] : memref<10112x32xf32, #tpu.memory_space<vmem>>, vector<10112x32xf32>
    tpu.vector_store %arg4[%swap3A, %swap3A_19], %concatenate3A {strides = array<i32>} : memref<10112x32xf32, #tpu.memory_space<vmem>>, vector<10112x32xf32>,
    return
  }
  func.func @transform_0(%arg0: i32) -> (i32, i32) {
    %c0_i32 = arith.constant 0 : i32
    %c0_i32_0 = arith.constant 0 : i32
    %c0_i32_1 = arith.constant 0 : i32
    return %c0_i32, %c0_i32_0 : i32, i32
  }
  func.func @transform_1(%arg0: i32) -> (i32, i32) {
    %c0_i32 = arith.constant 0 : i32
    %c0_i32_0 = arith.constant 0 : i32
    %c0_i32_1 = arith.constant 0 : i32
    return %c0_i32, %c0_i32_0 : i32, i32
  }
  func.func @transform_2(%arg0: i32) -> (i32, i32, i32) {
    %c0_i32 = arith.constant 0 : i32
    %c0_i32_0 = arith.constant 0 : i32
    %c0_i32_1 = arith.constant 0 : i32
    %c0_i32_2 = arith.constant 0 : i32
    return %c0_i32, %c0_i32_0, %c0_i32_1 : i32, i32, i32
  }
  func.func @transform_3(%arg0: i32) -> (i32, i32) {
    %c0_i32 = arith.constant 0 : i32
    %c0_i32_0 = arith.constant 0 : i32
    %c0_i32_1 = arith.constant 0 : i32
    return %c0_i32, %c0_i32_0 : i32, i32
  }
}

module attributes {stable_mosaic.version = 14 : i64} {
  func.func @body(%arg0: i32, %arg1: memref<2x10112x32xf32, #tpu.memory_space<vmem>>, %arg2: memref<10112x32xf32, #tpu.memory_space<vmem>>, %arg3: memref<32x16xf32, #tpu.memory_space<vmem>>, %arg4: memref<2x10112x8xf32, #tpu.memory_space<vmem>>, %arg5: memref<10112x16xf32, #tpu.memory_space<vmem>>) attributes {dimension_semantics = [#tpu.dimension_semantics<arbitrary>], iteration_bounds = array<i64: 1>, scalar_prefetch = 0 : i64, scratch_operands = 0 : i64, tpu.core_type = #tpu.core_type<tc>, window_params = [{pipeline_mode = #tpu.pipeline_mode<synchronous>, transform_indices = @transform_0, window_bounds = array<i64: 2, 10112, 32>}, {pipeline_mode = #tpu.pipeline_mode<synchronous>, transform_indices = @transform_1, window_bounds = array<i64: 10112, 32>}, {pipeline_mode = #tpu.pipeline_mode<synchronous>, transform_indices = @transform_2, window_bounds = array<i64: 32, 16>}, {pipeline_mode = #tpu.pipeline_mode<synchronous>, transform_indices = @transform_3, window_bounds = array<i64: 2, 10112, 8>}, {pipeline_mode = #tpu.pipeline_mode<synchronous>, transform_indices = @transform_4, window_bounds = array<i64: 10112, 16>}]} {
    %get3A = arith.constant 0 : index
    %get3A_0 = arith.constant 0 : index
    %get3A_1 = arith.constant 0 : index
    %get3A_2 = vector.load %arg4[%get3A, %get3A_0, %get3A_1] : memref<2x10112x8xf32, #tpu.memory_space<vmem>>, vector<2x10112x8xf32>
    %slice3A = vector.extract_strided_slice %get3A_2 {offsets = [0, 0, 0], sizes = [1, 10000, 1], strides = [1, 1, 1]} : vector<2x10112x8xf32> to vector<1x10000x1xf32>
    %squeeze3A = vector.shape_cast %slice3A : vector<1x10000x1xf32> to vector<10000x1xf32>
    %slice3A_3 = vector.extract_strided_slice %get3A_2 {offsets = [1, 0, 0], sizes = [1, 10000, 1], strides = [1, 1, 1]} : vector<2x10112x8xf32> to vector<1x10000x1xf32>
    %squeeze3A_4 = vector.shape_cast %slice3A_3 : vector<1x10000x1xf32> to vector<10000x1xf32>
    %add3A = arith.addf %squeeze3A, %squeeze3A_4 : vector<10000x1xf32>
    %add3A_5 = arith.constant 1.000000e+00 : f32
    %add3A_6 = vector.broadcast %add3A_5 : f32 to vector<10000x1xf32>
    %add3A_7 = arith.addf %add3A, %add3A_6 : vector<10000x1xf32>
    %max3A = arith.constant 1.000000e+00 : f32
    %max3A_8 = vector.broadcast %max3A : f32 to vector<10000x1xf32>
    %max3A_9 = arith.maximumf %add3A_7, %max3A_8 : vector<10000x1xf32>
    %rsqrt3A = math.rsqrt %max3A_9 : vector<10000x1xf32>
    %get3A_10 = arith.constant 0 : index
    %get3A_11 = arith.constant 0 : index
    %get3A_12 = arith.constant 0 : index
    %get3A_13 = vector.load %arg1[%get3A_10, %get3A_11, %get3A_12] : memref<2x10112x32xf32, #tpu.memory_space<vmem>>, vector<2x10112x32xf32>
    %slice3A_14 = vector.extract_strided_slice %get3A_13 {offsets = [0, 0, 0], sizes = [1, 10000, 32], strides = [1, 1, 1]} : vector<2x10112x32xf32> to vector<1x10000x32xf32>
    %squeeze3A_15 = vector.shape_cast %slice3A_14 : vector<1x10000x32xf32> to vector<10000x32xf32>
    %slice3A_16 = vector.extract_strided_slice %get3A_13 {offsets = [1, 0, 0], sizes = [1, 10000, 32], strides = [1, 1, 1]} : vector<2x10112x32xf32> to vector<1x10000x32xf32>
    %squeeze3A_17 = vector.shape_cast %slice3A_16 : vector<1x10000x32xf32> to vector<10000x32xf32>
    %add3A_18 = arith.addf %squeeze3A_15, %squeeze3A_17 : vector<10000x32xf32>
    %get3A_19 = arith.constant 0 : index
    %get3A_20 = arith.constant 0 : index
    %get3A_21 = vector.load %arg2[%get3A_19, %get3A_20] : memref<10112x32xf32, #tpu.memory_space<vmem>>, vector<10112x32xf32>
    %slice3A_22 = vector.extract_strided_slice %get3A_21 {offsets = [0, 0], sizes = [10000, 32], strides = [1, 1]} : vector<10112x32xf32> to vector<10000x32xf32>
    %add3A_23 = arith.addf %add3A_18, %slice3A_22 : vector<10000x32xf32>
    %mul3A = vector.broadcast %rsqrt3A : vector<10000x1xf32> to vector<10000x32xf32>
    %mul3A_24 = arith.mulf %add3A_23, %mul3A : vector<10000x32xf32>
    %max3A_25 = arith.constant 0.000000e+00 : f32
    %max3A_26 = vector.broadcast %max3A_25 : f32 to vector<10000x32xf32>
    %max3A_27 = arith.maximumf %mul3A_24, %max3A_26 : vector<10000x32xf32>
    %get3A_28 = arith.constant 0 : index
    %get3A_29 = arith.constant 0 : index
    %get3A_30 = vector.load %arg3[%get3A_28, %get3A_29] : memref<32x16xf32, #tpu.memory_space<vmem>>, vector<32x16xf32>
    %dot_general3A = arith.constant dense<0.000000e+00> : vector<10000x16xf32>
    %dot_general3A_31 = tpu.matmul %max3A_27, %get3A_30, %dot_general3A {dimension_numbers = #tpu.dot_dimension_numbers<[1], [0], [0], [1], [0, 0, 1, 1], [], []>, transpose_lhs_hint = false} : vector<10000x32xf32>, vector<32x16xf32>, vector<10000x16xf32> -> vector<10000x16xf32>
    %mul3A_32 = vector.broadcast %rsqrt3A : vector<10000x1xf32> to vector<10000x16xf32>
    %mul3A_33 = arith.mulf %dot_general3A_31, %mul3A_32 : vector<10000x16xf32>
    %broadcast_in_dim3A = arith.constant 0.000000e+00 : f32
    %broadcast_in_dim3A_34 = vector.broadcast %broadcast_in_dim3A : f32 to vector<112x16xf32>
    %concatenate3A = tpu.concatenate %mul3A_33, %broadcast_in_dim3A_34 in 0 : vector<10000x16xf32>, vector<112x16xf32> -> vector<10112x16xf32>
    %swap3A = arith.constant 0 : index
    %swap3A_35 = arith.constant 0 : index
    %swap3A_36 = vector.load %arg5[%swap3A, %swap3A_35] : memref<10112x16xf32, #tpu.memory_space<vmem>>, vector<10112x16xf32>
    tpu.vector_store %arg5[%swap3A, %swap3A_35], %concatenate3A {strides = array<i32>} : memref<10112x16xf32, #tpu.memory_space<vmem>>, vector<10112x16xf32>,
    return
  }
  func.func @transform_0(%arg0: i32) -> (i32, i32, i32) {
    %c0_i32 = arith.constant 0 : i32
    %c0_i32_0 = arith.constant 0 : i32
    %c0_i32_1 = arith.constant 0 : i32
    %c0_i32_2 = arith.constant 0 : i32
    return %c0_i32, %c0_i32_0, %c0_i32_1 : i32, i32, i32
  }
  func.func @transform_1(%arg0: i32) -> (i32, i32) {
    %c0_i32 = arith.constant 0 : i32
    %c0_i32_0 = arith.constant 0 : i32
    %c0_i32_1 = arith.constant 0 : i32
    return %c0_i32, %c0_i32_0 : i32, i32
  }
  func.func @transform_2(%arg0: i32) -> (i32, i32) {
    %c0_i32 = arith.constant 0 : i32
    %c0_i32_0 = arith.constant 0 : i32
    %c0_i32_1 = arith.constant 0 : i32
    return %c0_i32, %c0_i32_0 : i32, i32
  }
  func.func @transform_3(%arg0: i32) -> (i32, i32, i32) {
    %c0_i32 = arith.constant 0 : i32
    %c0_i32_0 = arith.constant 0 : i32
    %c0_i32_1 = arith.constant 0 : i32
    %c0_i32_2 = arith.constant 0 : i32
    return %c0_i32, %c0_i32_0, %c0_i32_1 : i32, i32, i32
  }
  func.func @transform_4(%arg0: i32) -> (i32, i32) {
    %c0_i32 = arith.constant 0 : i32
    %c0_i32_0 = arith.constant 0 : i32
    %c0_i32_1 = arith.constant 0 : i32
    return %c0_i32, %c0_i32_0 : i32, i32
  }
}

module attributes {stable_mosaic.version = 14 : i64} {
  func.func @body(%arg0: i32, %arg1: memref<2x10112x16xf32, #tpu.memory_space<vmem>>, %arg2: memref<10112x16xf32, #tpu.memory_space<vmem>>, %arg3: memref<2x10112x8xf32, #tpu.memory_space<vmem>>, %arg4: memref<10112x16xf32, #tpu.memory_space<vmem>>) attributes {dimension_semantics = [#tpu.dimension_semantics<arbitrary>], iteration_bounds = array<i64: 1>, scalar_prefetch = 0 : i64, scratch_operands = 0 : i64, tpu.core_type = #tpu.core_type<tc>, window_params = [{pipeline_mode = #tpu.pipeline_mode<synchronous>, transform_indices = @transform_0, window_bounds = array<i64: 2, 10112, 16>}, {pipeline_mode = #tpu.pipeline_mode<synchronous>, transform_indices = @transform_1, window_bounds = array<i64: 10112, 16>}, {pipeline_mode = #tpu.pipeline_mode<synchronous>, transform_indices = @transform_2, window_bounds = array<i64: 2, 10112, 8>}, {pipeline_mode = #tpu.pipeline_mode<synchronous>, transform_indices = @transform_3, window_bounds = array<i64: 10112, 16>}]} {
    %get3A = arith.constant 0 : index
    %get3A_0 = arith.constant 0 : index
    %get3A_1 = arith.constant 0 : index
    %get3A_2 = vector.load %arg3[%get3A, %get3A_0, %get3A_1] : memref<2x10112x8xf32, #tpu.memory_space<vmem>>, vector<2x10112x8xf32>
    %slice3A = vector.extract_strided_slice %get3A_2 {offsets = [0, 0, 0], sizes = [1, 10000, 1], strides = [1, 1, 1]} : vector<2x10112x8xf32> to vector<1x10000x1xf32>
    %squeeze3A = vector.shape_cast %slice3A : vector<1x10000x1xf32> to vector<10000x1xf32>
    %slice3A_3 = vector.extract_strided_slice %get3A_2 {offsets = [1, 0, 0], sizes = [1, 10000, 1], strides = [1, 1, 1]} : vector<2x10112x8xf32> to vector<1x10000x1xf32>
    %squeeze3A_4 = vector.shape_cast %slice3A_3 : vector<1x10000x1xf32> to vector<10000x1xf32>
    %add3A = arith.addf %squeeze3A, %squeeze3A_4 : vector<10000x1xf32>
    %add3A_5 = arith.constant 1.000000e+00 : f32
    %add3A_6 = vector.broadcast %add3A_5 : f32 to vector<10000x1xf32>
    %add3A_7 = arith.addf %add3A, %add3A_6 : vector<10000x1xf32>
    %max3A = arith.constant 1.000000e+00 : f32
    %max3A_8 = vector.broadcast %max3A : f32 to vector<10000x1xf32>
    %max3A_9 = arith.maximumf %add3A_7, %max3A_8 : vector<10000x1xf32>
    %rsqrt3A = math.rsqrt %max3A_9 : vector<10000x1xf32>
    %get3A_10 = arith.constant 0 : index
    %get3A_11 = arith.constant 0 : index
    %get3A_12 = arith.constant 0 : index
    %get3A_13 = vector.load %arg1[%get3A_10, %get3A_11, %get3A_12] : memref<2x10112x16xf32, #tpu.memory_space<vmem>>, vector<2x10112x16xf32>
    %slice3A_14 = vector.extract_strided_slice %get3A_13 {offsets = [0, 0, 0], sizes = [1, 10000, 16], strides = [1, 1, 1]} : vector<2x10112x16xf32> to vector<1x10000x16xf32>
    %squeeze3A_15 = vector.shape_cast %slice3A_14 : vector<1x10000x16xf32> to vector<10000x16xf32>
    %slice3A_16 = vector.extract_strided_slice %get3A_13 {offsets = [1, 0, 0], sizes = [1, 10000, 16], strides = [1, 1, 1]} : vector<2x10112x16xf32> to vector<1x10000x16xf32>
    %squeeze3A_17 = vector.shape_cast %slice3A_16 : vector<1x10000x16xf32> to vector<10000x16xf32>
    %add3A_18 = arith.addf %squeeze3A_15, %squeeze3A_17 : vector<10000x16xf32>
    %get3A_19 = arith.constant 0 : index
    %get3A_20 = arith.constant 0 : index
    %get3A_21 = vector.load %arg2[%get3A_19, %get3A_20] : memref<10112x16xf32, #tpu.memory_space<vmem>>, vector<10112x16xf32>
    %slice3A_22 = vector.extract_strided_slice %get3A_21 {offsets = [0, 0], sizes = [10000, 16], strides = [1, 1]} : vector<10112x16xf32> to vector<10000x16xf32>
    %add3A_23 = arith.addf %add3A_18, %slice3A_22 : vector<10000x16xf32>
    %mul3A = vector.broadcast %rsqrt3A : vector<10000x1xf32> to vector<10000x16xf32>
    %mul3A_24 = arith.mulf %add3A_23, %mul3A : vector<10000x16xf32>
    %broadcast_in_dim3A = arith.constant 0.000000e+00 : f32
    %broadcast_in_dim3A_25 = vector.broadcast %broadcast_in_dim3A : f32 to vector<112x16xf32>
    %concatenate3A = tpu.concatenate %mul3A_24, %broadcast_in_dim3A_25 in 0 : vector<10000x16xf32>, vector<112x16xf32> -> vector<10112x16xf32>
    %swap3A = arith.constant 0 : index
    %swap3A_26 = arith.constant 0 : index
    %swap3A_27 = vector.load %arg4[%swap3A, %swap3A_26] : memref<10112x16xf32, #tpu.memory_space<vmem>>, vector<10112x16xf32>
    tpu.vector_store %arg4[%swap3A, %swap3A_26], %concatenate3A {strides = array<i32>} : memref<10112x16xf32, #tpu.memory_space<vmem>>, vector<10112x16xf32>,
    return
  }
  func.func @transform_0(%arg0: i32) -> (i32, i32, i32) {
    %c0_i32 = arith.constant 0 : i32
    %c0_i32_0 = arith.constant 0 : i32
    %c0_i32_1 = arith.constant 0 : i32
    %c0_i32_2 = arith.constant 0 : i32
    return %c0_i32, %c0_i32_0, %c0_i32_1 : i32, i32, i32
  }
  func.func @transform_1(%arg0: i32) -> (i32, i32) {
    %c0_i32 = arith.constant 0 : i32
    %c0_i32_0 = arith.constant 0 : i32
    %c0_i32_1 = arith.constant 0 : i32
    return %c0_i32, %c0_i32_0 : i32, i32
  }
  func.func @transform_2(%arg0: i32) -> (i32, i32, i32) {
    %c0_i32 = arith.constant 0 : i32
    %c0_i32_0 = arith.constant 0 : i32
    %c0_i32_1 = arith.constant 0 : i32
    %c0_i32_2 = arith.constant 0 : i32
    return %c0_i32, %c0_i32_0, %c0_i32_1 : i32, i32, i32
  }
  func.func @transform_3(%arg0: i32) -> (i32, i32) {
    %c0_i32 = arith.constant 0 : i32
    %c0_i32_0 = arith.constant 0 : i32
    %c0_i32_1 = arith.constant 0 : i32
    return %c0_i32, %c0_i32_0 : i32, i32
  }
}

module attributes {stable_mosaic.version = 14 : i64} {
  func.func @body(%arg0: i32, %arg1: memref<400x16xf32, #tpu.memory_space<vmem>>, %arg2: memref<10000x16xf32, #tpu.memory_space<vmem>>, %arg3: memref<400x10000xf32, #tpu.memory_space<vmem>>) attributes {dimension_semantics = [#tpu.dimension_semantics<arbitrary>], iteration_bounds = array<i64: 25>, scalar_prefetch = 0 : i64, scratch_operands = 0 : i64, tpu.core_type = #tpu.core_type<tc>, window_params = [{transform_indices = @transform_0, window_bounds = array<i64: 400, 16>}, {transform_indices = @transform_1, window_bounds = array<i64: 10000, 16>}, {transform_indices = @transform_2, window_bounds = array<i64: 400, 10000>}]} {
    %get3A = arith.constant 0 : index
    %get3A_0 = arith.constant 0 : index
    %get3A_1 = vector.load %arg1[%get3A, %get3A_0] : memref<400x16xf32, #tpu.memory_space<vmem>>, vector<400x16xf32>
    %get3A_2 = arith.constant 0 : index
    %get3A_3 = arith.constant 0 : index
    %get3A_4 = vector.load %arg2[%get3A_2, %get3A_3] : memref<10000x16xf32, #tpu.memory_space<vmem>>, vector<10000x16xf32>
    %dot_general3A = arith.constant dense<0.000000e+00> : vector<400x10000xf32>
    %dot_general3A_5 = tpu.matmul %get3A_1, %get3A_4, %dot_general3A {dimension_numbers = #tpu.dot_dimension_numbers<[1], [1], [0], [0], [0, 0, 1, 0], [], []>, transpose_lhs_hint = false} : vector<400x16xf32>, vector<10000x16xf32>, vector<400x10000xf32> -> vector<400x10000xf32>
    %logistic3A = arith.negf %dot_general3A_5 : vector<400x10000xf32>
    %logistic3A_6 = math.exp %logistic3A : vector<400x10000xf32>
    %logistic3A_7 = arith.constant 1.000000e+00 : f32
    %logistic3A_8 = vector.broadcast %logistic3A_7 : f32 to vector<400x10000xf32>
    %logistic3A_9 = arith.addf %logistic3A_8, %logistic3A_6 : vector<400x10000xf32>
    %logistic3A_10 = arith.divf %logistic3A_8, %logistic3A_9 : vector<400x10000xf32>
    %swap3A = arith.constant 0 : index
    %swap3A_11 = arith.constant 0 : index
    %swap3A_12 = vector.load %arg3[%swap3A, %swap3A_11] : memref<400x10000xf32, #tpu.memory_space<vmem>>, vector<400x10000xf32>
    tpu.vector_store %arg3[%swap3A, %swap3A_11], %logistic3A_10 {strides = array<i32>} : memref<400x10000xf32, #tpu.memory_space<vmem>>, vector<400x10000xf32>,
    return
  }
  func.func @transform_0(%arg0: i32) -> (i32, i32) {
    %c0_i32 = arith.constant 0 : i32
    %c0_i32_0 = arith.constant 0 : i32
    return %arg0, %c0_i32 : i32, i32
  }
  func.func @transform_1(%arg0: i32) -> (i32, i32) {
    %c0_i32 = arith.constant 0 : i32
    %c0_i32_0 = arith.constant 0 : i32
    %c0_i32_1 = arith.constant 0 : i32
    return %c0_i32, %c0_i32_0 : i32, i32
  }
  func.func @transform_2(%arg0: i32) -> (i32, i32) {
    %c0_i32 = arith.constant 0 : i32
    %c0_i32_0 = arith.constant 0 : i32
    return %arg0, %c0_i32 : i32, i32
  }
}

</mosaic_0001>

<sc_bundles>
// kernel: kernel.12.cloned.1.call-start
scs
__scs_entry_jumppad:
0x0: {  	(pc) =	sbr.rel $0x88, $3  }
0x1: {  	(tag) =	ssettag $0x0;
	lr =	simm.s32 $0x1  }
0x2: {  	[smem:$0x3F9D] =	sst lr;
	_ =	strace $0xD0000000  }
0x3: {  	_ = 	snop  }
0x4: {  	_ = 	snop  }
0x5: {  	_ = 	snop  }
0x6: {  	_ = 	snop  }
0x7: {  	_ = 	snop  }
__scs_overlays_trampoline_lowered:
0x8: {  	[smem:$0x3FAC] =	sst s0  }
0x9: {  	[smem:$0x3FAD] =	sst s1  }
0xa: {  	[smem:$0x3FAE] =	sst s2  }
0xb: {  	[smem:$0x3FAF] =	sst s3  }
0xc: {  	[smem:$0x3FB0] =	sst s4  }
0xd: {  	[smem:$0x3FB1] =	sst s5  }
0xe: {  	[smem:$0x3FB2] =	sst s6  }
0xf: {  	[smem:$0x3FB3] =	sst s7  }
0x10: {  	[smem:$0x3FB4] =	sst s8  }
0x11: {  	[smem:$0x3FB5] =	sst s9;
	s0 =	simm.s32 @!p0 $0x0  }
0x12: {  	s1 =	sld [smem:$0x3F9B];
	s0 =	simm.s32 @p0 $0x1  }
0x13: {  	[smem:$0x3FB6] =	sst s0;
	s0 =	simm.s32 @!p1 $0x0  }
0x14: {  	s2 =	sld [smem:$0x3F9A];
	s0 =	simm.s32 @p1 $0x1  }
0x15: {  	[smem:$0x3FB7] =	sst s0;
	s0 =	simm.s32 @!p2 $0x0  }
0x16: {  	s3 =	sld [smem:$0x3FDB];
	s0 =	simm.s32 @p2 $0x1  }
0x17: {  	s4 =	simm.s32 $0x1BF5;
	[smem:$0x3FB9] =	sst s0  }
0x18: {  	s0 =	sld [smem:$0x3F9C];
	_ =	swait.ge [sflag:s4], $0x0  }
0x19: {  	s7 =	sld [smem:$0x3F9D]  }
0x1a: {  	s8 =	sadd.s32 $0xFFFFE003, lr  }
0x1b: {  	s9 =	sadd.s32 $0xFFFFFEF7, lr;
	s5 =	simm.s32 $0xFFFFFFFF;
	p2 =	slt.u32 s8, $0xFFFFF086  }
0x1c: {  	p1 =	slt.u32 s9, $0xF7A;
	s5 =	simm.s32 @!p2 $0x0  }
0x1d: {  	s5 =	simm.s32 @p1 $0x1;
	p0 =	seq.s32 s7, s2  }
0x1e: {  	s7 =	smul.u32 @!p0 $0xF7A, s2;
	p2 =	seq.s32 @!p0 s5, $0x0  }
0x1f: {  	s9 =	smul.u32 $0xF7A, s1;
	s8 =	simm.s32 @!p0 $0x1BF5;
	p2 =	por !p2, p0  }
0x20: {  	[sflag:s8] =	ssyncset.s32 @!p0 $0xFFFFF086;
	s6 =	sadd.s32 @!p0 s3, s7;
	s7 =	simm.s32 @!p0 $0x108  }
0x21: {  	s3 =	sadd.s32 s3, s9;
	s6 =	sadd.s32 @!p0 $0x88, s6;
	s7 =	simm.s32 @p2 $0x1082  }
0x22: {  	[simem:s7], [sflag:s8] =	dma.local @!p0 [hbm:s6], $0xF7A  }
0x23: {  	s9 =	sor.u32 $0xD0000000, s2;
	s6 =	simm.s32 $0x108;
	_ =	swait.ge @!p0 [sflag:s8], $0x0  }
0x24: {  	s3 =	sadd.s32 $0x88, s3;
	s6 =	simm.s32 @!p1 $0x1082;
	[sflag:s4] =	ssyncset.s32 $0xFFFFF086  }
0x25: {  	[simem:s6], [sflag:s4] =	dma.local [hbm:s3], $0xF7A  }
0x26: {  	[smem:$0x3F9D] =	sst s1;
	(tag) =	ssettag s2;
	_ =	strace s9  }
0x27: {  	s1 =	sld [smem:$0x3FAD]  }
0x28: {  	s2 =	sld [smem:$0x3FAE]  }
0x29: {  	s4 =	sld [smem:$0x3FB0]  }
0x2a: {  	p0 =	seq.s32 s5, $0x0;
	s5 =	sld [smem:$0x3FB1]  }
0x2b: {  	s6 =	sld [smem:$0x3FB2]  }
0x2c: {  	s7 =	sld [smem:$0x3FB3]  }
0x2d: {  	s3 =	simm.s32 $0x108;
	s8 =	sld [smem:$0x3FB4]  }
0x2e: {  	s3 =	simm.s32 @!p0 $0x1082;
	s9 =	sld [smem:$0x3FB5]  }
0x2f: {  	lr =	sadd.s32 s0, s3;
	s0 =	sld [smem:$0x3FAC]  }
0x30: {  	s3 =	sld [smem:$0x3FAF]  }
0x31: {  	[smem:$0x3FB8] =	sst s10  }
0x32: {  	s10 =	sld [smem:$0x3FB6];
	_ =	sdelay $0x3  }
0x33: {  	p0 =	seq.s32 s10, $0x1;
	s10 =	sld [smem:$0x3FB8];
	_ =	sdelay $0x3  }
0x34: {  	[smem:$0x3FB8] =	sst s10  }
0x35: {  	s10 =	sld [smem:$0x3FB7];
	_ =	sdelay $0x3  }
0x36: {  	p1 =	seq.s32 s10, $0x1;
	s10 =	sld [smem:$0x3FB8];
	_ =	sdelay $0x3  }
0x37: {  	[smem:$0x3FB8] =	sst s10  }
0x38: {  	s10 =	sld [smem:$0x3FB9]  }
0x39: {  	_ = 	snop;
	(pc) =	sbr.ind lr, $3  }
0x3a: {  	_ = 	snop  }
0x3b: {  	_ = 	snop  }
0x3c: {  	p2 =	seq.s32 s10, $0x1;
	s10 =	sld [smem:$0x3FB8]  }
0x3d: {  	_ =	shalt  }
0x3e: {  	_ =	shalt  }
0x3f: {  	_ =	shalt  }
0x40: {  	_ =	shalt  }
0x41: {  	_ =	shalt  }
0x42: {  	_ =	shalt  }
0x43: {  	_ =	shalt  }
0x44: {  	_ =	shalt  }
0x45: {  	_ =	shalt  }
0x46: {  	_ =	shalt  }
0x47: {  	_ =	shalt  }
0x48: {  	_ =	shalt  }
0x49: {  	_ =	shalt  }
0x4a: {  	_ =	shalt  }
0x4b: {  	_ =	shalt  }
0x4c: {  	_ =	shalt  }
0x4d: {  	_ =	shalt  }
0x4e: {  	_ =	shalt  }
0x4f: {  	_ =	shalt  }
0x50: {  	_ =	shalt  }
0x51: {  	_ =	shalt  }
0x52: {  	_ =	shalt  }
0x53: {  	_ =	shalt  }
0x54: {  	_ =	shalt  }
0x55: {  	_ =	shalt  }
0x56: {  	_ =	shalt  }
0x57: {  	_ =	shalt  }
0x58: {  	_ =	shalt  }
0x59: {  	_ =	shalt  }
0x5a: {  	_ =	shalt  }
0x5b: {  	_ =	shalt  }
0x5c: {  	_ =	shalt  }
0x5d: {  	_ =	shalt  }
0x5e: {  	_ =	shalt  }
0x5f: {  	_ =	shalt  }
0x60: {  	_ =	shalt  }
0x61: {  	_ =	shalt  }
0x62: {  	_ =	shalt  }
0x63: {  	_ =	shalt  }
0x64: {  	_ =	shalt  }
0x65: {  	_ =	shalt  }
0x66: {  	_ =	shalt  }
0x67: {  	_ =	shalt  }
0x68: {  	_ =	shalt  }
0x69: {  	_ =	shalt  }
0x6a: {  	_ =	shalt  }
0x6b: {  	_ =	shalt  }
0x6c: {  	_ =	shalt  }
0x6d: {  	_ =	shalt  }
0x6e: {  	_ =	shalt  }
0x6f: {  	_ =	shalt  }
0x70: {  	_ =	shalt  }
0x71: {  	_ =	shalt  }
0x72: {  	_ =	shalt  }
0x73: {  	_ =	shalt  }
0x74: {  	_ =	shalt  }
0x75: {  	_ =	shalt  }
0x76: {  	_ =	shalt  }
0x77: {  	_ =	shalt  }
0x78: {  	_ =	shalt  }
0x79: {  	_ =	shalt  }
0x7a: {  	_ =	shalt  }
0x7b: {  	_ =	shalt  }
0x7c: {  	_ =	shalt  }
0x7d: {  	_ =	shalt  }
0x7e: {  	_ =	shalt  }
0x7f: {  	_ =	shalt  }
0x80: {  	_ =	shalt  }
0x81: {  	_ =	shalt  }
0x82: {  	_ =	shalt  }
0x83: {  	_ =	shalt  }
0x84: {  	_ =	shalt  }
0x85: {  	_ =	shalt  }
0x86: {  	_ =	shalt  }
0x87: {  	_ =	shalt  }
.Lfunc_end0:
.L_simem_size_0:
called_computation.1_lowered:
.L_overlay_start_0:
0x88: {  	s2 =	sld [smem:$0x3FD9]  }
0x89: {  	s3 =	sld [smem:$0x3FFE];
	_ =	sdelay $0x1  }
0x8a: {  	s1 =	srdreg.scid  }
0x8b: {  	s0 =	sand.u32 $0x1, s1  }
0x8c: {  	s16 =	sshll.u32 s0, $0xA;
	s2 =	sadd.s32 s3, s2  }
0x8d: {  	s2 =	sadd.s32 s2, s16  }
0x8e: {  	[smem:$0x3FC4] =	sst s2  }
0x8f: {  	_ = 	snop  }
0x90: {  	(tm) =	ssettm $0x1  }
0x91: {  	s17 =	sld [smem:$0x3FFB];
	_ =	sdelay $0x3  }
0x92: {  	_ =	strace s17  }
0x93: {  	s2 =	sld [smem:$0x3FFC];
	_ =	sdelay $0x3  }
0x94: {  	_ =	strace s2  }
0x95: {  	s2 =	sld [smem:$0x3FFD];
	_ =	sdelay $0x3  }
0x96: {  	_ =	strace s2  }
0x97: {  	_ =	strace $0x8FFFFFFF  }
0x98: {  	s18 =	sld [smem:$0x3FDB];
	_ =	sdelay $0x1  }
0x99: {  	s19 =	simm.s32 $_scs_section_size  }
0x9a: {  	s4 =	simm.s32 $_size__tile_overlayer_lowered;
	s5 =	simm.s32 $_tile_overlayer_lowered  }
0x9b: {  	s22 =	simm.s32 $0x1BFF;
	s21 =	sshll.u32 s5, $0x1;
	s2 =	sadd.s32 s19, s18  }
0x9c: {  	s6 =	simm.s32 $0x0;
	s20 =	sshll.u32 s4, $0x1;
	s4 =	sadd.s32 s21, s2  }
0x9d: {  	[timem:s6], [sflag:s22] =	dma.local [hbm:s4], s20  }
0x9e: {  	_ =	swait.ge [sflag:s22], s20  }
0x9f: {  	s3 =	ssub.s32 $0x0, s20;
	[sflag:s22] =	ssyncset.done $0x0  }
0xa0: {  	[sflag:s22] =	ssyncadd.s32 s3;
	_ =	sdelay $0x1  }
0xa1: {  	s23 =	simm.s32 $0x1B8B  }
0xa2: {  	_ =	swait.ge [sflag:s23], $0x1  }
0xa3: {  	[sflag:s23] =	ssyncset.done $0x0  }
0xa4: {  	s25 =	simm.s32 $0x1B8E;
	s24 =	sld [smem:$0x3FFE];
	[sflag:s23] =	ssyncadd.s32 $0xFFFFFFFF  }
0xa5: {  	s26 =	simm.s32 $execute0_lowered;
	[smem:$0x3FD2] =	sst s25  }
0xa6: {  	s4 =	sshll.u32 s26, $0x1;
	_ =	strace $0x80000049;
	[dreg:$0x1] =	wrdreg $0xFFFFFFFF  }
0xa7: {  	s28 =	simm.s32 $_size_execute0_lowered;
	s2 =	sadd.s32 s2, s4;
	[dreg:$0x0] =	wrdreg $0x0  }
0xa8: {  	s4 =	sshll.u32 s28, $0x1;
	[dreg:$0x2] =	wrdreg s2  }
0xa9: {  	[dreg:$0x3] =	wrdreg s4  }
0xaa: {  	[dreg:$0x4] =	wrdreg $0xC0  }
0xab: {  	_ =	task [dreg:s6], $0x5FFFF  }
0xac: {  	[dreg:$0x1] =	wrdreg $0xFFFFFFFF  }
0xad: {  	[dreg:$0x0] =	wrdreg $0x60  }
0xae: {  	[dreg:$0x2] =	wrdreg s24  }
0xaf: {  	[dreg:$0x3] =	wrdreg $0x48000  }
0xb0: {  	[dreg:$0x4] =	wrdreg $0x9  }
0xb1: {  	_ =	task.clear_ibuf [dreg:s6], $0x5FFFF;
	_ =	strace $0x90000049  }
0xb2: {  	s29 =	simm.s32 $0x9;
	_ =	strace $0x8000004B  }
0xb3: {  	_ =	swait.ge [sflag:s29], $0x1  }
0xb4: {  	[sflag:s29] =	ssyncadd.s32 $0xFFFFFFFF  }
0xb5: {  	_ =	strace $0x9000004B  }
0xb6: {  	_ =	sfence  }
0xb7: {  	s30 =	sld [smem:$0x0];
	_ =	sdelay $0x2  }
0xb8: {  	s31 =	sshll.u32 s1, $0xD;
	s1 =	sshrl.u32 s1, $0x2  }
0xb9: {  	s3 =	sand.u32 $0x4000, s31;
	s1 =	sadd.s32 s1, s30  }
0xba: {  	s0 =	sor.u32 s3, s0;
	s1 =	sshll.u32 s1, $0x11  }
0xbb: {  	s0 =	sor.u32 s1, s0  }
0xbc: {  	s0 =	sadd.s32 $0x8F2B, s0  }
0xbd: {  	[sflag:s0] =	ssyncadd.remote.s32 $0x1  }
0xbe: {  	_ =	sfence.sel $0xFFFF  }
0xbf: {  	[dreg:$0x0] =	wrdreg $0xFFFFFFFF;
	(pc) =	sbr.abs _section_cstart, $3  }
0xc0: {  	[dreg:$0x1] =	wrdreg $0xFFFFFFFF  }
0xc1: {  	_ =	task.clear_ibuf [dreg:s6], $0x2FFFF;
	_ =	strace $0x9FFFFFFF  }
0xc2: {  	(tm) =	ssettm $0x7FFFFFFF  }
0xc3: {  	_ =	shalt  }
tec
execute0_lowered:
.L_overlay_start_1:
0x0: {  	(tag) =	ssettag $0x1  }
0x1: {  	s6 =	rddreg [dreg:$0x0]  }
0x2: {  	s0 =	srdreg.scid;
	s2 =	rddreg [dreg:$0x1];
	s3 =	simm.s32 $0x0  }
0x3: {  	s14 =	simm.s32 $0x80;
	s15 =	simm.s32 $0x2800;
	s16 =	simm.s32 $0x1  }
0x4: {  	s17 =	simm.s32 $0x3800;
	s18 =	simm.s32 $0x2;
	s19 =	simm.s32 $0x1380  }
0x5: {  	s20 =	simm.s32 $0x2700;
	s21 =	simm.s32 $0x2780;
	s22 =	simm.s32 $0x0  }
0x6: {  	s5 =	sand.u32 $0x1, s0;
	s0 =	stileid.u32;
	[smem:$0x7FF] =	sst s3  }
0x7: {  	s4 =	sadd.s32 $0x33600, s6;
	s1 =	sshll.u32 s5, $0x4;
	s8 =	smul.u32 $0x4F00, s0  }
0x8: {  	s9 =	smul.u32 $0x4F000, s5;
	s30 =	ssub.s32 $0x2, s5;
	s1 =	sor.u32 s0, s1  }
0x9: {  	s5 =	sadd.s32 $0x3D400, s6;
	s31 =	sshll.u32 s0, $0x6;
	s7 =	smul.u32 $0x1400, s1  }
0xa: {  	s11 =	sshrl.u32 s30, $0x1;
	s1 =	rddreg [dreg:$0x2];
	_ =	strace $0x8000004A  }
0xb: {  	s29 =	sadd.s32 s8, s9;
	s11 =	ssub.s32 s30, s11;
	s7 =	sshrl.u32 s7, $0x3  }
0xc: {  	s13 =	sadd.s32 s8, s2;
	s10 =	sadd.s32 s7, s6;
	s7 =	sshrl.u32 s29, $0x3  }
0xd: {  	s12 =	sadd.s32 s7, s6;
	s6 =	sor.u32 $0x1C03, s31;
	s7 =	sadd.s32 $0x6E00, s10  }
0xe: {  	s8 =	sadd.s32 $0x1E00, s10;
	s10 =	smax.u32 s11, $0x1;
	s11 =	sshrl.u32 s13, $0x3  }
0xf: {  	s13 =	simm.s32 $0x1400;
	s9 =	sadd.s32 $0x3DE00, s12;
	s12 =	simm.s32 $0x3  }
.LBB2_1:
0x10: {  	[spmem:s11], [sflag:s6] =	dma.local [hbm:s5], $0x9E0  }
0x11: {  	_ =	swait.ge [sflag:s12], $0x9E0  }
0x12: {  	[sflag:s12] =	ssyncset.done $0x0  }
0x13: {  	[sflag:s12] =	ssyncadd.s32 $0xFFFFF620  }
0x14: {  	[tilespmem:s13], [sflag:$0x3] =	stream.linear.gather [hbm4b:s7+s3], $0x1400, $0x38;
	[tilespmem:$0x9700] =	vst v63  }
0x15: {  	_ =	swait.ge [sflag:s12], $0x1400  }
0x16: {  	[sflag:s12] =	ssyncset.done $0x0  }
0x17: {  	[sflag:s12] =	ssyncadd.s32 $0xFFFFEC00  }
0x18: {  	[tilespmem:s3], [sflag:$0x3] =	stream.linear.gather [hbm4b:s8+s3], $0x1400, $0x38;
	[tilespmem:$0x9700] =	vst v63  }
0x19: {  	_ =	swait.ge [sflag:s12], $0x1400  }
0x1a: {  	[sflag:s12] =	ssyncset.done $0x0  }
0x1b: {  	[sflag:s12] =	ssyncadd.s32 $0xFFFFEC00  }
0x1c: {  	[bflag:$0x0] =	sbarrier.arrive $0xFFFF  }
0x1d: {  	[tilespmem:s15], [sflag:$0x1] =	stream.indirect.gather [hbm4b:s4+s14], $0x20, s3, s14, $0xb8;
	[tilespmem:$0x9700] =	vst v63  }
0x1e: {  	_ =	swait.ge [sflag:s16], $0x1000  }
0x1f: {  	[sflag:s16] =	ssyncset.done $0x0  }
0x20: {  	s23 =	simm.s32 $0x80;
	[sflag:s16] =	ssyncadd.s32 $0xFFFFF000  }
0x21: {  	[tilespmem:s17], [sflag:$0x2] =	stream.indirect.gather [hbm4b:s4+s14], $0x20, s23, s14, $0xb8;
	[tilespmem:$0x9700] =	vst v63  }
0x22: {  	s29 =	simm.s32 $0x1400  }
0x23: {  	[spmem:s2] =	stream.indirect.scatter.add.f32 [tilespmem:s15], [sflag:$0x3], $0x20, s29, s14, $0xb8;
	[tilespmem:$0x9700] =	vst v63  }
0x24: {  	_ =	swait.ge [sflag:s12], $0x1000  }
0x25: {  	[sflag:s12] =	ssyncset.done $0x0  }
0x26: {  	[sflag:s12] =	ssyncadd.s32 $0xFFFFF000  }
0x27: {  	_ =	swait.ge [sflag:s18], $0x1000  }
0x28: {  	[sflag:s18] =	ssyncset.done $0x0  }
0x29: {  	s30 =	simm.s32 $0x100;
	[sflag:s18] =	ssyncadd.s32 $0xFFFFF000  }
0x2a: {  	[tilespmem:s15], [sflag:$0x1] =	stream.indirect.gather [hbm4b:s4+s14], $0x20, s30, s14, $0xb8;
	[tilespmem:$0x9700] =	vst v63  }
0x2b: {  	s31 =	simm.s32 $0x1480  }
0x2c: {  	[spmem:s2] =	stream.indirect.scatter.add.f32 [tilespmem:s17], [sflag:$0x3], $0x20, s31, s14, $0xb8;
	[tilespmem:$0x9700] =	vst v63  }
0x2d: {  	_ =	swait.ge [sflag:s12], $0x1000  }
0x2e: {  	s23 =	simm.s32 $0x400;
	[sflag:s12] =	ssyncset.done $0x0  }
.LBB2_2:
0x2f: {  	p0 =	sne.s32 s23, $0x4800  }
0x30: {  	[sflag:s12] =	ssyncadd.s32 $0xFFFFF000;
	s24 =	smov.u32 s23;
	s23 =	sadd.s32 $0x400, s23  }
0x31: {  	_ = 	snop  }
0x32: {  	_ =	swait.ge [sflag:s16], $0x1000  }
0x33: {  	s24 =	sshra.s32 s24, $0x2;
	[sflag:s16] =	ssyncset.done $0x0  }
0x34: {  	s25 =	sadd.s32 $0x80, s24;
	[sflag:s16] =	ssyncadd.s32 $0xFFFFF000  }
0x35: {  	[tilespmem:s17], [sflag:$0x2] =	stream.indirect.gather [hbm4b:s4+s14], $0x20, s25, s14, $0xb8;
	[tilespmem:$0x9700] =	vst v63  }
0x36: {  	s25 =	sadd.s32 $0x1400, s24  }
0x37: {  	[spmem:s2] =	stream.indirect.scatter.add.f32 [tilespmem:s15], [sflag:$0x3], $0x20, s25, s14, $0xb8;
	[tilespmem:$0x9700] =	vst v63  }
0x38: {  	_ =	swait.ge [sflag:s12], $0x1000  }
0x39: {  	[sflag:s12] =	ssyncset.done $0x0  }
0x3a: {  	[sflag:s12] =	ssyncadd.s32 $0xFFFFF000  }
0x3b: {  	_ =	swait.ge [sflag:s18], $0x1000  }
0x3c: {  	[sflag:s18] =	ssyncset.done $0x0  }
0x3d: {  	s25 =	sadd.s32 $0x100, s24;
	[sflag:s18] =	ssyncadd.s32 $0xFFFFF000  }
0x3e: {  	[tilespmem:s15], [sflag:$0x1] =	stream.indirect.gather [hbm4b:s4+s14], $0x20, s25, s14, $0xb8;
	[tilespmem:$0x9700] =	vst v63  }
.Ltmp0:
0x3f: {  	_ = 	snop;
	(pc) =	sbr.rel @p0 .LBB2_2-.Ltmp0, $4  }
0x40: {  	s24 =	sadd.s32 $0x1480, s24  }
0x41: {  	[spmem:s2] =	stream.indirect.scatter.add.f32 [tilespmem:s17], [sflag:$0x3], $0x20, s24, s14, $0xb8;
	[tilespmem:$0x9700] =	vst v63  }
0x42: {  	_ =	swait.ge [sflag:s12], $0x1000  }
0x43: {  	[sflag:s12] =	ssyncset.done $0x0  }
0x44: {  	[sflag:s12] =	ssyncadd.s32 $0xFFFFF000  }
0x45: {  	_ =	swait.ge [sflag:s16], $0x1000  }
0x46: {  	[sflag:s16] =	ssyncset.done $0x0  }
0x47: {  	[sflag:s16] =	ssyncadd.s32 $0xFFFFF000  }
0x48: {  	[tilespmem:s17], [sflag:$0x2] =	stream.indirect.gather [hbm4b:s4+s14], $0x20, s19, s14, $0xb8;
	[tilespmem:$0x9700] =	vst v63  }
0x49: {  	_ = 	snop  }
0x4a: {  	[spmem:s2] =	stream.indirect.scatter.add.f32 [tilespmem:s15], [sflag:$0x3], $0x20, s20, s14, $0xb8;
	[tilespmem:$0x9700] =	vst v63  }
0x4b: {  	_ =	swait.ge [sflag:s12], $0x1000  }
0x4c: {  	[sflag:s12] =	ssyncset.done $0x0  }
0x4d: {  	[sflag:s12] =	ssyncadd.s32 $0xFFFFF000  }
0x4e: {  	_ =	swait.ge [sflag:s18], $0x1000  }
0x4f: {  	[sflag:s18] =	ssyncset.done $0x0  }
0x50: {  	[sflag:s18] =	ssyncadd.s32 $0xFFFFF000  }
0x51: {  	[tilespmem:s15], [sflag:$0x1] =	stream.indirect.gather [hbm4b:s4+s14], $0x20, s19, s14, $0xb8;
	[tilespmem:$0x9700] =	vst v63  }
0x52: {  	_ = 	snop  }
0x53: {  	[spmem:s2] =	stream.indirect.scatter.add.f32 [tilespmem:s17], [sflag:$0x3], $0x20, s21, s14, $0xb8;
	[tilespmem:$0x9700] =	vst v63  }
0x54: {  	_ =	swait.ge [sflag:s12], $0x1000  }
0x55: {  	[sflag:s12] =	ssyncset.done $0x0  }
0x56: {  	[sflag:s12] =	ssyncadd.s32 $0xFFFFF000  }
0x57: {  	_ =	swait.ge [sflag:s16], $0x1000  }
0x58: {  	s22 =	sadd.s32 $0x1, s22;
	[sflag:s16] =	ssyncset.done $0x0  }
0x59: {  	p0 =	sne.s32 s22, s10;
	[sflag:s16] =	ssyncadd.s32 $0xFFFFF000  }
.Ltmp1:
0x5a: {  	[bflag:$0x0] =	sbarrier.arrive $0xFFFF;
	(pc) =	sbr.rel @p0 .LBB2_1-.Ltmp1, $4  }
0x5b: {  	[hbm:s9], [sflag:s6] =	dma.local [spmem:s11], $0x9E0  }
0x5c: {  	_ =	swait.ge [sflag:s12], $0x9E0  }
0x5d: {  	[sflag:s12] =	ssyncset.done $0x0  }
0x5e: {  	[sflag:s12] =	ssyncadd.s32 $0xFFFFF620  }
0x5f: {  	_ =	sfence.sel $0x180000  }
0x60: {  	[bflag:$0x0] =	sbarrier.arrive $0xFFFF  }
0x61: {  	p0 =	sne.s32 s0, $0x0;
	_ =	strace $0x9000004A  }
0x62: {  	s0 =	sadd.s32 @!p0 $0x100000, s1;
	[bflag:$0x2] =	sbarrier.arrive $0xFFFF  }
0x63: {  	[sflag:s0] =	ssyncadd.tile.s32 @!p0 $0x1;
	_ =	shalt  }
.Lfunc_end2:
_tile_overlayer_lowered:
.L_overlay_start_2:
0x64: {  	(tag) =	ssettag $0x2  }
0x65: {  	s0 =	rddreg [dreg:$0x0];
	s2 =	stileid.u32  }
0x66: {  	s1 =	rddreg [dreg:$0x1];
	p0 =	sne.s32 s2, $0x0  }
0x67: {  	s3 =	rddreg [dreg:$0x2];
	[bflag:$0x3] =	sbarrier.arrive $0xFFFF;
	s2 =	simm.s32 @!p0 $0x1C03  }
0x68: {  	[timem:s3], [sflag:s2] =	dma.local @!p0 [hbm:s0], s1  }
0x69: {  	s0 =	simm.s32 @!p0 $0x3  }
0x6a: {  	_ =	swait.ge @!p0 [sflag:s0], s1  }
0x6b: {  	s1 =	ssub.s32 @!p0 $0x0, s1;
	[sflag:s0] =	ssyncset.done @!p0 $0x0  }
0x6c: {  	[sflag:s0] =	ssyncadd.s32 @!p0 s1  }
0x6d: {  	[bflag:$0x3] =	sbarrier.arrive $0xFFFF  }
0x6e: {  	_ =	shalt  }

// kernel: kernel.15.cloned.1.call-start
scs
__scs_entry_jumppad:
0x0: {  	(pc) =	sbr.rel $0x88, $3  }
0x1: {  	(tag) =	ssettag $0x0;
	lr =	simm.s32 $0x1  }
0x2: {  	[smem:$0x3F9D] =	sst lr;
	_ =	strace $0xD0000000  }
0x3: {  	_ = 	snop  }
0x4: {  	_ = 	snop  }
0x5: {  	_ = 	snop  }
0x6: {  	_ = 	snop  }
0x7: {  	_ = 	snop  }
__scs_overlays_trampoline_lowered:
0x8: {  	[smem:$0x3FAC] =	sst s0  }
0x9: {  	[smem:$0x3FAD] =	sst s1  }
0xa: {  	[smem:$0x3FAE] =	sst s2  }
0xb: {  	[smem:$0x3FAF] =	sst s3  }
0xc: {  	[smem:$0x3FB0] =	sst s4  }
0xd: {  	[smem:$0x3FB1] =	sst s5  }
0xe: {  	[smem:$0x3FB2] =	sst s6  }
0xf: {  	[smem:$0x3FB3] =	sst s7  }
0x10: {  	[smem:$0x3FB4] =	sst s8  }
0x11: {  	[smem:$0x3FB5] =	sst s9;
	s0 =	simm.s32 @!p0 $0x0  }
0x12: {  	s1 =	sld [smem:$0x3F9B];
	s0 =	simm.s32 @p0 $0x1  }
0x13: {  	[smem:$0x3FB6] =	sst s0;
	s0 =	simm.s32 @!p1 $0x0  }
0x14: {  	s2 =	sld [smem:$0x3F9A];
	s0 =	simm.s32 @p1 $0x1  }
0x15: {  	[smem:$0x3FB7] =	sst s0;
	s0 =	simm.s32 @!p2 $0x0  }
0x16: {  	s3 =	sld [smem:$0x3FDB];
	s0 =	simm.s32 @p2 $0x1  }
0x17: {  	s4 =	simm.s32 $0x1BF5;
	[smem:$0x3FB9] =	sst s0  }
0x18: {  	s0 =	sld [smem:$0x3F9C];
	_ =	swait.ge [sflag:s4], $0x0  }
0x19: {  	s7 =	sld [smem:$0x3F9D]  }
0x1a: {  	s8 =	sadd.s32 $0xFFFFE003, lr  }
0x1b: {  	s9 =	sadd.s32 $0xFFFFFEF7, lr;
	s5 =	simm.s32 $0xFFFFFFFF;
	p2 =	slt.u32 s8, $0xFFFFF086  }
0x1c: {  	p1 =	slt.u32 s9, $0xF7A;
	s5 =	simm.s32 @!p2 $0x0  }
0x1d: {  	s5 =	simm.s32 @p1 $0x1;
	p0 =	seq.s32 s7, s2  }
0x1e: {  	s7 =	smul.u32 @!p0 $0xF7A, s2;
	p2 =	seq.s32 @!p0 s5, $0x0  }
0x1f: {  	s9 =	smul.u32 $0xF7A, s1;
	s8 =	simm.s32 @!p0 $0x1BF5;
	p2 =	por !p2, p0  }
0x20: {  	[sflag:s8] =	ssyncset.s32 @!p0 $0xFFFFF086;
	s6 =	sadd.s32 @!p0 s3, s7;
	s7 =	simm.s32 @!p0 $0x108  }
0x21: {  	s3 =	sadd.s32 s3, s9;
	s6 =	sadd.s32 @!p0 $0x88, s6;
	s7 =	simm.s32 @p2 $0x1082  }
0x22: {  	[simem:s7], [sflag:s8] =	dma.local @!p0 [hbm:s6], $0xF7A  }
0x23: {  	s9 =	sor.u32 $0xD0000000, s2;
	s6 =	simm.s32 $0x108;
	_ =	swait.ge @!p0 [sflag:s8], $0x0  }
0x24: {  	s3 =	sadd.s32 $0x88, s3;
	s6 =	simm.s32 @!p1 $0x1082;
	[sflag:s4] =	ssyncset.s32 $0xFFFFF086  }
0x25: {  	[simem:s6], [sflag:s4] =	dma.local [hbm:s3], $0xF7A  }
0x26: {  	[smem:$0x3F9D] =	sst s1;
	(tag) =	ssettag s2;
	_ =	strace s9  }
0x27: {  	s1 =	sld [smem:$0x3FAD]  }
0x28: {  	s2 =	sld [smem:$0x3FAE]  }
0x29: {  	s4 =	sld [smem:$0x3FB0]  }
0x2a: {  	p0 =	seq.s32 s5, $0x0;
	s5 =	sld [smem:$0x3FB1]  }
0x2b: {  	s6 =	sld [smem:$0x3FB2]  }
0x2c: {  	s7 =	sld [smem:$0x3FB3]  }
0x2d: {  	s3 =	simm.s32 $0x108;
	s8 =	sld [smem:$0x3FB4]  }
0x2e: {  	s3 =	simm.s32 @!p0 $0x1082;
	s9 =	sld [smem:$0x3FB5]  }
0x2f: {  	lr =	sadd.s32 s0, s3;
	s0 =	sld [smem:$0x3FAC]  }
0x30: {  	s3 =	sld [smem:$0x3FAF]  }
0x31: {  	[smem:$0x3FB8] =	sst s10  }
0x32: {  	s10 =	sld [smem:$0x3FB6];
	_ =	sdelay $0x3  }
0x33: {  	p0 =	seq.s32 s10, $0x1;
	s10 =	sld [smem:$0x3FB8];
	_ =	sdelay $0x3  }
0x34: {  	[smem:$0x3FB8] =	sst s10  }
0x35: {  	s10 =	sld [smem:$0x3FB7];
	_ =	sdelay $0x3  }
0x36: {  	p1 =	seq.s32 s10, $0x1;
	s10 =	sld [smem:$0x3FB8];
	_ =	sdelay $0x3  }
0x37: {  	[smem:$0x3FB8] =	sst s10  }
0x38: {  	s10 =	sld [smem:$0x3FB9]  }
0x39: {  	_ = 	snop;
	(pc) =	sbr.ind lr, $3  }
0x3a: {  	_ = 	snop  }
0x3b: {  	_ = 	snop  }
0x3c: {  	p2 =	seq.s32 s10, $0x1;
	s10 =	sld [smem:$0x3FB8]  }
0x3d: {  	_ =	shalt  }
0x3e: {  	_ =	shalt  }
0x3f: {  	_ =	shalt  }
0x40: {  	_ =	shalt  }
0x41: {  	_ =	shalt  }
0x42: {  	_ =	shalt  }
0x43: {  	_ =	shalt  }
0x44: {  	_ =	shalt  }
0x45: {  	_ =	shalt  }
0x46: {  	_ =	shalt  }
0x47: {  	_ =	shalt  }
0x48: {  	_ =	shalt  }
0x49: {  	_ =	shalt  }
0x4a: {  	_ =	shalt  }
0x4b: {  	_ =	shalt  }
0x4c: {  	_ =	shalt  }
0x4d: {  	_ =	shalt  }
0x4e: {  	_ =	shalt  }
0x4f: {  	_ =	shalt  }
0x50: {  	_ =	shalt  }
0x51: {  	_ =	shalt  }
0x52: {  	_ =	shalt  }
0x53: {  	_ =	shalt  }
0x54: {  	_ =	shalt  }
0x55: {  	_ =	shalt  }
0x56: {  	_ =	shalt  }
0x57: {  	_ =	shalt  }
0x58: {  	_ =	shalt  }
0x59: {  	_ =	shalt  }
0x5a: {  	_ =	shalt  }
0x5b: {  	_ =	shalt  }
0x5c: {  	_ =	shalt  }
0x5d: {  	_ =	shalt  }
0x5e: {  	_ =	shalt  }
0x5f: {  	_ =	shalt  }
0x60: {  	_ =	shalt  }
0x61: {  	_ =	shalt  }
0x62: {  	_ =	shalt  }
0x63: {  	_ =	shalt  }
0x64: {  	_ =	shalt  }
0x65: {  	_ =	shalt  }
0x66: {  	_ =	shalt  }
0x67: {  	_ =	shalt  }
0x68: {  	_ =	shalt  }
0x69: {  	_ =	shalt  }
0x6a: {  	_ =	shalt  }
0x6b: {  	_ =	shalt  }
0x6c: {  	_ =	shalt  }
0x6d: {  	_ =	shalt  }
0x6e: {  	_ =	shalt  }
0x6f: {  	_ =	shalt  }
0x70: {  	_ =	shalt  }
0x71: {  	_ =	shalt  }
0x72: {  	_ =	shalt  }
0x73: {  	_ =	shalt  }
0x74: {  	_ =	shalt  }
0x75: {  	_ =	shalt  }
0x76: {  	_ =	shalt  }
0x77: {  	_ =	shalt  }
0x78: {  	_ =	shalt  }
0x79: {  	_ =	shalt  }
0x7a: {  	_ =	shalt  }
0x7b: {  	_ =	shalt  }
0x7c: {  	_ =	shalt  }
0x7d: {  	_ =	shalt  }
0x7e: {  	_ =	shalt  }
0x7f: {  	_ =	shalt  }
0x80: {  	_ =	shalt  }
0x81: {  	_ =	shalt  }
0x82: {  	_ =	shalt  }
0x83: {  	_ =	shalt  }
0x84: {  	_ =	shalt  }
0x85: {  	_ =	shalt  }
0x86: {  	_ =	shalt  }
0x87: {  	_ =	shalt  }
.Lfunc_end0:
.L_simem_size_0:
called_computation.2_lowered:
.L_overlay_start_0:
0x88: {  	s2 =	sld [smem:$0x3FD9]  }
0x89: {  	s3 =	sld [smem:$0x3FFE];
	_ =	sdelay $0x1  }
0x8a: {  	s1 =	srdreg.scid  }
0x8b: {  	s0 =	sand.u32 $0x1, s1  }
0x8c: {  	s16 =	sshll.u32 s0, $0xA;
	s2 =	sadd.s32 s3, s2  }
0x8d: {  	s2 =	sadd.s32 s2, s16  }
0x8e: {  	[smem:$0x3FC4] =	sst s2  }
0x8f: {  	_ = 	snop  }
0x90: {  	(tm) =	ssettm $0x1  }
0x91: {  	s17 =	sld [smem:$0x3FFB];
	_ =	sdelay $0x3  }
0x92: {  	_ =	strace s17  }
0x93: {  	s2 =	sld [smem:$0x3FFC];
	_ =	sdelay $0x3  }
0x94: {  	_ =	strace s2  }
0x95: {  	s2 =	sld [smem:$0x3FFD];
	_ =	sdelay $0x3  }
0x96: {  	_ =	strace s2  }
0x97: {  	_ =	strace $0x8FFFFFFF  }
0x98: {  	s18 =	sld [smem:$0x3FDB];
	_ =	sdelay $0x1  }
0x99: {  	s19 =	simm.s32 $_scs_section_size  }
0x9a: {  	s4 =	simm.s32 $_size__tile_overlayer_lowered;
	s5 =	simm.s32 $_tile_overlayer_lowered  }
0x9b: {  	s22 =	simm.s32 $0x1BFF;
	s21 =	sshll.u32 s5, $0x1;
	s2 =	sadd.s32 s19, s18  }
0x9c: {  	s6 =	simm.s32 $0x0;
	s20 =	sshll.u32 s4, $0x1;
	s4 =	sadd.s32 s21, s2  }
0x9d: {  	[timem:s6], [sflag:s22] =	dma.local [hbm:s4], s20  }
0x9e: {  	_ =	swait.ge [sflag:s22], s20  }
0x9f: {  	s3 =	ssub.s32 $0x0, s20;
	[sflag:s22] =	ssyncset.done $0x0  }
0xa0: {  	[sflag:s22] =	ssyncadd.s32 s3;
	_ =	sdelay $0x1  }
0xa1: {  	s23 =	simm.s32 $0x1B8B  }
0xa2: {  	_ =	swait.ge [sflag:s23], $0x1  }
0xa3: {  	[sflag:s23] =	ssyncset.done $0x0  }
0xa4: {  	s25 =	simm.s32 $0x1B8E;
	s24 =	sld [smem:$0x3FFE];
	[sflag:s23] =	ssyncadd.s32 $0xFFFFFFFF  }
0xa5: {  	s26 =	simm.s32 $execute0_lowered;
	[smem:$0x3FD2] =	sst s25  }
0xa6: {  	s4 =	sshll.u32 s26, $0x1;
	_ =	strace $0x8000004C;
	[dreg:$0x1] =	wrdreg $0xFFFFFFFF  }
0xa7: {  	s28 =	simm.s32 $_size_execute0_lowered;
	s2 =	sadd.s32 s2, s4;
	[dreg:$0x0] =	wrdreg $0x0  }
0xa8: {  	s4 =	sshll.u32 s28, $0x1;
	[dreg:$0x2] =	wrdreg s2  }
0xa9: {  	[dreg:$0x3] =	wrdreg s4  }
0xaa: {  	[dreg:$0x4] =	wrdreg $0xC0  }
0xab: {  	_ =	task [dreg:s6], $0x5FFFF  }
0xac: {  	[dreg:$0x1] =	wrdreg $0xFFFFFFFF  }
0xad: {  	[dreg:$0x0] =	wrdreg $0x60  }
0xae: {  	[dreg:$0x2] =	wrdreg s24  }
0xaf: {  	[dreg:$0x3] =	wrdreg $0x38000  }
0xb0: {  	[dreg:$0x4] =	wrdreg $0x9  }
0xb1: {  	_ =	task.clear_ibuf [dreg:s6], $0x5FFFF;
	_ =	strace $0x9000004C  }
0xb2: {  	s29 =	simm.s32 $0x9;
	_ =	strace $0x8000004E  }
0xb3: {  	_ =	swait.ge [sflag:s29], $0x1  }
0xb4: {  	[sflag:s29] =	ssyncadd.s32 $0xFFFFFFFF  }
0xb5: {  	_ =	strace $0x9000004E  }
0xb6: {  	_ =	sfence  }
0xb7: {  	s30 =	sld [smem:$0x0];
	_ =	sdelay $0x2  }
0xb8: {  	s31 =	sshll.u32 s1, $0xD;
	s1 =	sshrl.u32 s1, $0x2  }
0xb9: {  	s3 =	sand.u32 $0x4000, s31;
	s1 =	sadd.s32 s1, s30  }
0xba: {  	s0 =	sor.u32 s3, s0;
	s1 =	sshll.u32 s1, $0x11  }
0xbb: {  	s0 =	sor.u32 s1, s0  }
0xbc: {  	s0 =	sadd.s32 $0x8F2B, s0  }
0xbd: {  	[sflag:s0] =	ssyncadd.remote.s32 $0x1  }
0xbe: {  	_ =	sfence.sel $0xFFFF  }
0xbf: {  	[dreg:$0x0] =	wrdreg $0xFFFFFFFF;
	(pc) =	sbr.abs _section_cstart, $3  }
0xc0: {  	[dreg:$0x1] =	wrdreg $0xFFFFFFFF  }
0xc1: {  	_ =	task.clear_ibuf [dreg:s6], $0x2FFFF;
	_ =	strace $0x9FFFFFFF  }
0xc2: {  	(tm) =	ssettm $0x7FFFFFFF  }
0xc3: {  	_ =	shalt  }
tec
execute0_lowered:
.L_overlay_start_1:
0x0: {  	(tag) =	ssettag $0x1  }
0x1: {  	s6 =	rddreg [dreg:$0x0]  }
0x2: {  	s0 =	srdreg.scid;
	s2 =	rddreg [dreg:$0x1];
	s3 =	simm.s32 $0x0  }
0x3: {  	s14 =	simm.s32 $0x80;
	s15 =	simm.s32 $0x2800;
	s16 =	simm.s32 $0x1  }
0x4: {  	s17 =	simm.s32 $0x3000;
	s18 =	simm.s32 $0x2;
	s19 =	simm.s32 $0x1380  }
0x5: {  	s20 =	simm.s32 $0x2700;
	s21 =	simm.s32 $0x2780;
	s22 =	simm.s32 $0x0  }
0x6: {  	s5 =	sand.u32 $0x1, s0;
	s0 =	stileid.u32;
	[smem:$0x7FF] =	sst s3  }
0x7: {  	s4 =	sadd.s32 $0xBE00, s6;
	s1 =	sshll.u32 s5, $0x4;
	s8 =	smul.u32 $0x2780, s0  }
0x8: {  	s9 =	smul.u32 $0x27800, s5;
	s30 =	ssub.s32 $0x2, s5;
	s1 =	sor.u32 s0, s1  }
0x9: {  	s5 =	sadd.s32 $0x10E00, s6;
	s31 =	sshll.u32 s0, $0x6;
	s7 =	smul.u32 $0x1400, s1  }
0xa: {  	s11 =	sshrl.u32 s30, $0x1;
	s1 =	rddreg [dreg:$0x2];
	_ =	strace $0x8000004D  }
0xb: {  	s29 =	sadd.s32 s8, s9;
	s11 =	ssub.s32 s30, s11;
	s7 =	sshrl.u32 s7, $0x3  }
0xc: {  	s13 =	sadd.s32 s8, s2;
	s10 =	sadd.s32 s7, s6;
	s7 =	sshrl.u32 s29, $0x3  }
0xd: {  	s12 =	sadd.s32 s7, s6;
	s6 =	sor.u32 $0x1C03, s31;
	s7 =	sadd.s32 $0x6E00, s10  }
0xe: {  	s8 =	sadd.s32 $0x1E00, s10;
	s10 =	smax.u32 s11, $0x1;
	s11 =	sshrl.u32 s13, $0x3  }
0xf: {  	s13 =	simm.s32 $0x1400;
	s9 =	sadd.s32 $0x11400, s12;
	s12 =	simm.s32 $0x3  }
.LBB2_1:
0x10: {  	[spmem:s11], [sflag:s6] =	dma.local [hbm:s5], $0x4F0  }
0x11: {  	_ =	swait.ge [sflag:s12], $0x4F0  }
0x12: {  	[sflag:s12] =	ssyncset.done $0x0  }
0x13: {  	[sflag:s12] =	ssyncadd.s32 $0xFFFFFB10  }
0x14: {  	[tilespmem:s13], [sflag:$0x3] =	stream.linear.gather [hbm4b:s7+s3], $0x1400, $0x38;
	[tilespmem:$0x5F80] =	vst v63  }
0x15: {  	_ =	swait.ge [sflag:s12], $0x1400  }
0x16: {  	[sflag:s12] =	ssyncset.done $0x0  }
0x17: {  	[sflag:s12] =	ssyncadd.s32 $0xFFFFEC00  }
0x18: {  	[tilespmem:s3], [sflag:$0x3] =	stream.linear.gather [hbm4b:s8+s3], $0x1400, $0x38;
	[tilespmem:$0x5F80] =	vst v63  }
0x19: {  	_ =	swait.ge [sflag:s12], $0x1400  }
0x1a: {  	[sflag:s12] =	ssyncset.done $0x0  }
0x1b: {  	[sflag:s12] =	ssyncadd.s32 $0xFFFFEC00  }
0x1c: {  	[bflag:$0x0] =	sbarrier.arrive $0xFFFF  }
0x1d: {  	[tilespmem:s15], [sflag:$0x1] =	stream.indirect.gather [hbm4b:s4+s14], $0x10, s3, s14, $0xb8;
	[tilespmem:$0x5F80] =	vst v63  }
0x1e: {  	_ =	swait.ge [sflag:s16], $0x800  }
0x1f: {  	[sflag:s16] =	ssyncset.done $0x0  }
0x20: {  	s23 =	simm.s32 $0x80;
	[sflag:s16] =	ssyncadd.s32 $0xFFFFF800  }
0x21: {  	[tilespmem:s17], [sflag:$0x2] =	stream.indirect.gather [hbm4b:s4+s14], $0x10, s23, s14, $0xb8;
	[tilespmem:$0x5F80] =	vst v63  }
0x22: {  	s29 =	simm.s32 $0x1400  }
0x23: {  	[spmem:s2] =	stream.indirect.scatter.add.f32 [tilespmem:s15], [sflag:$0x3], $0x10, s29, s14, $0xb8;
	[tilespmem:$0x5F80] =	vst v63  }
0x24: {  	_ =	swait.ge [sflag:s12], $0x800  }
0x25: {  	[sflag:s12] =	ssyncset.done $0x0  }
0x26: {  	[sflag:s12] =	ssyncadd.s32 $0xFFFFF800  }
0x27: {  	_ =	swait.ge [sflag:s18], $0x800  }
0x28: {  	[sflag:s18] =	ssyncset.done $0x0  }
0x29: {  	s30 =	simm.s32 $0x100;
	[sflag:s18] =	ssyncadd.s32 $0xFFFFF800  }
0x2a: {  	[tilespmem:s15], [sflag:$0x1] =	stream.indirect.gather [hbm4b:s4+s14], $0x10, s30, s14, $0xb8;
	[tilespmem:$0x5F80] =	vst v63  }
0x2b: {  	s31 =	simm.s32 $0x1480  }
0x2c: {  	[spmem:s2] =	stream.indirect.scatter.add.f32 [tilespmem:s17], [sflag:$0x3], $0x10, s31, s14, $0xb8;
	[tilespmem:$0x5F80] =	vst v63  }
0x2d: {  	_ =	swait.ge [sflag:s12], $0x800  }
0x2e: {  	s23 =	simm.s32 $0x400;
	[sflag:s12] =	ssyncset.done $0x0  }
.LBB2_2:
0x2f: {  	p0 =	sne.s32 s23, $0x4800  }
0x30: {  	[sflag:s12] =	ssyncadd.s32 $0xFFFFF800;
	s24 =	smov.u32 s23;
	s23 =	sadd.s32 $0x400, s23  }
0x31: {  	_ = 	snop  }
0x32: {  	_ =	swait.ge [sflag:s16], $0x800  }
0x33: {  	s24 =	sshra.s32 s24, $0x2;
	[sflag:s16] =	ssyncset.done $0x0  }
0x34: {  	s25 =	sadd.s32 $0x80, s24;
	[sflag:s16] =	ssyncadd.s32 $0xFFFFF800  }
0x35: {  	[tilespmem:s17], [sflag:$0x2] =	stream.indirect.gather [hbm4b:s4+s14], $0x10, s25, s14, $0xb8;
	[tilespmem:$0x5F80] =	vst v63  }
0x36: {  	s25 =	sadd.s32 $0x1400, s24  }
0x37: {  	[spmem:s2] =	stream.indirect.scatter.add.f32 [tilespmem:s15], [sflag:$0x3], $0x10, s25, s14, $0xb8;
	[tilespmem:$0x5F80] =	vst v63  }
0x38: {  	_ =	swait.ge [sflag:s12], $0x800  }
0x39: {  	[sflag:s12] =	ssyncset.done $0x0  }
0x3a: {  	[sflag:s12] =	ssyncadd.s32 $0xFFFFF800  }
0x3b: {  	_ =	swait.ge [sflag:s18], $0x800  }
0x3c: {  	[sflag:s18] =	ssyncset.done $0x0  }
0x3d: {  	s25 =	sadd.s32 $0x100, s24;
	[sflag:s18] =	ssyncadd.s32 $0xFFFFF800  }
0x3e: {  	[tilespmem:s15], [sflag:$0x1] =	stream.indirect.gather [hbm4b:s4+s14], $0x10, s25, s14, $0xb8;
	[tilespmem:$0x5F80] =	vst v63  }
.Ltmp0:
0x3f: {  	_ = 	snop;
	(pc) =	sbr.rel @p0 .LBB2_2-.Ltmp0, $4  }
0x40: {  	s24 =	sadd.s32 $0x1480, s24  }
0x41: {  	[spmem:s2] =	stream.indirect.scatter.add.f32 [tilespmem:s17], [sflag:$0x3], $0x10, s24, s14, $0xb8;
	[tilespmem:$0x5F80] =	vst v63  }
0x42: {  	_ =	swait.ge [sflag:s12], $0x800  }
0x43: {  	[sflag:s12] =	ssyncset.done $0x0  }
0x44: {  	[sflag:s12] =	ssyncadd.s32 $0xFFFFF800  }
0x45: {  	_ =	swait.ge [sflag:s16], $0x800  }
0x46: {  	[sflag:s16] =	ssyncset.done $0x0  }
0x47: {  	[sflag:s16] =	ssyncadd.s32 $0xFFFFF800  }
0x48: {  	[tilespmem:s17], [sflag:$0x2] =	stream.indirect.gather [hbm4b:s4+s14], $0x10, s19, s14, $0xb8;
	[tilespmem:$0x5F80] =	vst v63  }
0x49: {  	_ = 	snop  }
0x4a: {  	[spmem:s2] =	stream.indirect.scatter.add.f32 [tilespmem:s15], [sflag:$0x3], $0x10, s20, s14, $0xb8;
	[tilespmem:$0x5F80] =	vst v63  }
0x4b: {  	_ =	swait.ge [sflag:s12], $0x800  }
0x4c: {  	[sflag:s12] =	ssyncset.done $0x0  }
0x4d: {  	[sflag:s12] =	ssyncadd.s32 $0xFFFFF800  }
0x4e: {  	_ =	swait.ge [sflag:s18], $0x800  }
0x4f: {  	[sflag:s18] =	ssyncset.done $0x0  }
0x50: {  	[sflag:s18] =	ssyncadd.s32 $0xFFFFF800  }
0x51: {  	[tilespmem:s15], [sflag:$0x1] =	stream.indirect.gather [hbm4b:s4+s14], $0x10, s19, s14, $0xb8;
	[tilespmem:$0x5F80] =	vst v63  }
0x52: {  	_ = 	snop  }
0x53: {  	[spmem:s2] =	stream.indirect.scatter.add.f32 [tilespmem:s17], [sflag:$0x3], $0x10, s21, s14, $0xb8;
	[tilespmem:$0x5F80] =	vst v63  }
0x54: {  	_ =	swait.ge [sflag:s12], $0x800  }
0x55: {  	[sflag:s12] =	ssyncset.done $0x0  }
0x56: {  	[sflag:s12] =	ssyncadd.s32 $0xFFFFF800  }
0x57: {  	_ =	swait.ge [sflag:s16], $0x800  }
0x58: {  	s22 =	sadd.s32 $0x1, s22;
	[sflag:s16] =	ssyncset.done $0x0  }
0x59: {  	p0 =	sne.s32 s22, s10;
	[sflag:s16] =	ssyncadd.s32 $0xFFFFF800  }
.Ltmp1:
0x5a: {  	[bflag:$0x0] =	sbarrier.arrive $0xFFFF;
	(pc) =	sbr.rel @p0 .LBB2_1-.Ltmp1, $4  }
0x5b: {  	[hbm:s9], [sflag:s6] =	dma.local [spmem:s11], $0x4F0  }
0x5c: {  	_ =	swait.ge [sflag:s12], $0x4F0  }
0x5d: {  	[sflag:s12] =	ssyncset.done $0x0  }
0x5e: {  	[sflag:s12] =	ssyncadd.s32 $0xFFFFFB10  }
0x5f: {  	_ =	sfence.sel $0x180000  }
0x60: {  	[bflag:$0x0] =	sbarrier.arrive $0xFFFF  }
0x61: {  	p0 =	sne.s32 s0, $0x0;
	_ =	strace $0x9000004D  }
0x62: {  	s0 =	sadd.s32 @!p0 $0x100000, s1;
	[bflag:$0x2] =	sbarrier.arrive $0xFFFF  }
0x63: {  	[sflag:s0] =	ssyncadd.tile.s32 @!p0 $0x1;
	_ =	shalt  }
.Lfunc_end2:
_tile_overlayer_lowered:
.L_overlay_start_2:
0x64: {  	(tag) =	ssettag $0x2  }
0x65: {  	s0 =	rddreg [dreg:$0x0];
	s2 =	stileid.u32  }
0x66: {  	s1 =	rddreg [dreg:$0x1];
	p0 =	sne.s32 s2, $0x0  }
0x67: {  	s3 =	rddreg [dreg:$0x2];
	[bflag:$0x3] =	sbarrier.arrive $0xFFFF;
	s2 =	simm.s32 @!p0 $0x1C03  }
0x68: {  	[timem:s3], [sflag:s2] =	dma.local @!p0 [hbm:s0], s1  }
0x69: {  	s0 =	simm.s32 @!p0 $0x3  }
0x6a: {  	_ =	swait.ge @!p0 [sflag:s0], s1  }
0x6b: {  	s1 =	ssub.s32 @!p0 $0x0, s1;
	[sflag:s0] =	ssyncset.done @!p0 $0x0  }
0x6c: {  	[sflag:s0] =	ssyncadd.s32 @!p0 s1  }
0x6d: {  	[bflag:$0x3] =	sbarrier.arrive $0xFFFF  }
0x6e: {  	_ =	shalt  }

// kernel: kernel.9.cloned.1.call-start
scs
__scs_entry_jumppad:
0x0: {  	(pc) =	sbr.rel $0x88, $3  }
0x1: {  	(tag) =	ssettag $0x0;
	lr =	simm.s32 $0x1  }
0x2: {  	[smem:$0x3F9D] =	sst lr;
	_ =	strace $0xD0000000  }
0x3: {  	_ = 	snop  }
0x4: {  	_ = 	snop  }
0x5: {  	_ = 	snop  }
0x6: {  	_ = 	snop  }
0x7: {  	_ = 	snop  }
__scs_overlays_trampoline_lowered:
0x8: {  	[smem:$0x3FAC] =	sst s0  }
0x9: {  	[smem:$0x3FAD] =	sst s1  }
0xa: {  	[smem:$0x3FAE] =	sst s2  }
0xb: {  	[smem:$0x3FAF] =	sst s3  }
0xc: {  	[smem:$0x3FB0] =	sst s4  }
0xd: {  	[smem:$0x3FB1] =	sst s5  }
0xe: {  	[smem:$0x3FB2] =	sst s6  }
0xf: {  	[smem:$0x3FB3] =	sst s7  }
0x10: {  	[smem:$0x3FB4] =	sst s8  }
0x11: {  	[smem:$0x3FB5] =	sst s9;
	s0 =	simm.s32 @!p0 $0x0  }
0x12: {  	s1 =	sld [smem:$0x3F9B];
	s0 =	simm.s32 @p0 $0x1  }
0x13: {  	[smem:$0x3FB6] =	sst s0;
	s0 =	simm.s32 @!p1 $0x0  }
0x14: {  	s2 =	sld [smem:$0x3F9A];
	s0 =	simm.s32 @p1 $0x1  }
0x15: {  	[smem:$0x3FB7] =	sst s0;
	s0 =	simm.s32 @!p2 $0x0  }
0x16: {  	s3 =	sld [smem:$0x3FDB];
	s0 =	simm.s32 @p2 $0x1  }
0x17: {  	s4 =	simm.s32 $0x1BF5;
	[smem:$0x3FB9] =	sst s0  }
0x18: {  	s0 =	sld [smem:$0x3F9C];
	_ =	swait.ge [sflag:s4], $0x0  }
0x19: {  	s7 =	sld [smem:$0x3F9D]  }
0x1a: {  	s8 =	sadd.s32 $0xFFFFE003, lr  }
0x1b: {  	s9 =	sadd.s32 $0xFFFFFEF7, lr;
	s5 =	simm.s32 $0xFFFFFFFF;
	p2 =	slt.u32 s8, $0xFFFFF086  }
0x1c: {  	p1 =	slt.u32 s9, $0xF7A;
	s5 =	simm.s32 @!p2 $0x0  }
0x1d: {  	s5 =	simm.s32 @p1 $0x1;
	p0 =	seq.s32 s7, s2  }
0x1e: {  	s7 =	smul.u32 @!p0 $0xF7A, s2;
	p2 =	seq.s32 @!p0 s5, $0x0  }
0x1f: {  	s9 =	smul.u32 $0xF7A, s1;
	s8 =	simm.s32 @!p0 $0x1BF5;
	p2 =	por !p2, p0  }
0x20: {  	[sflag:s8] =	ssyncset.s32 @!p0 $0xFFFFF086;
	s6 =	sadd.s32 @!p0 s3, s7;
	s7 =	simm.s32 @!p0 $0x108  }
0x21: {  	s3 =	sadd.s32 s3, s9;
	s6 =	sadd.s32 @!p0 $0x88, s6;
	s7 =	simm.s32 @p2 $0x1082  }
0x22: {  	[simem:s7], [sflag:s8] =	dma.local @!p0 [hbm:s6], $0xF7A  }
0x23: {  	s9 =	sor.u32 $0xD0000000, s2;
	s6 =	simm.s32 $0x108;
	_ =	swait.ge @!p0 [sflag:s8], $0x0  }
0x24: {  	s3 =	sadd.s32 $0x88, s3;
	s6 =	simm.s32 @!p1 $0x1082;
	[sflag:s4] =	ssyncset.s32 $0xFFFFF086  }
0x25: {  	[simem:s6], [sflag:s4] =	dma.local [hbm:s3], $0xF7A  }
0x26: {  	[smem:$0x3F9D] =	sst s1;
	(tag) =	ssettag s2;
	_ =	strace s9  }
0x27: {  	s1 =	sld [smem:$0x3FAD]  }
0x28: {  	s2 =	sld [smem:$0x3FAE]  }
0x29: {  	s4 =	sld [smem:$0x3FB0]  }
0x2a: {  	p0 =	seq.s32 s5, $0x0;
	s5 =	sld [smem:$0x3FB1]  }
0x2b: {  	s6 =	sld [smem:$0x3FB2]  }
0x2c: {  	s7 =	sld [smem:$0x3FB3]  }
0x2d: {  	s3 =	simm.s32 $0x108;
	s8 =	sld [smem:$0x3FB4]  }
0x2e: {  	s3 =	simm.s32 @!p0 $0x1082;
	s9 =	sld [smem:$0x3FB5]  }
0x2f: {  	lr =	sadd.s32 s0, s3;
	s0 =	sld [smem:$0x3FAC]  }
0x30: {  	s3 =	sld [smem:$0x3FAF]  }
0x31: {  	[smem:$0x3FB8] =	sst s10  }
0x32: {  	s10 =	sld [smem:$0x3FB6];
	_ =	sdelay $0x3  }
0x33: {  	p0 =	seq.s32 s10, $0x1;
	s10 =	sld [smem:$0x3FB8];
	_ =	sdelay $0x3  }
0x34: {  	[smem:$0x3FB8] =	sst s10  }
0x35: {  	s10 =	sld [smem:$0x3FB7];
	_ =	sdelay $0x3  }
0x36: {  	p1 =	seq.s32 s10, $0x1;
	s10 =	sld [smem:$0x3FB8];
	_ =	sdelay $0x3  }
0x37: {  	[smem:$0x3FB8] =	sst s10  }
0x38: {  	s10 =	sld [smem:$0x3FB9]  }
0x39: {  	_ = 	snop;
	(pc) =	sbr.ind lr, $3  }
0x3a: {  	_ = 	snop  }
0x3b: {  	_ = 	snop  }
0x3c: {  	p2 =	seq.s32 s10, $0x1;
	s10 =	sld [smem:$0x3FB8]  }
0x3d: {  	_ =	shalt  }
0x3e: {  	_ =	shalt  }
0x3f: {  	_ =	shalt  }
0x40: {  	_ =	shalt  }
0x41: {  	_ =	shalt  }
0x42: {  	_ =	shalt  }
0x43: {  	_ =	shalt  }
0x44: {  	_ =	shalt  }
0x45: {  	_ =	shalt  }
0x46: {  	_ =	shalt  }
0x47: {  	_ =	shalt  }
0x48: {  	_ =	shalt  }
0x49: {  	_ =	shalt  }
0x4a: {  	_ =	shalt  }
0x4b: {  	_ =	shalt  }
0x4c: {  	_ =	shalt  }
0x4d: {  	_ =	shalt  }
0x4e: {  	_ =	shalt  }
0x4f: {  	_ =	shalt  }
0x50: {  	_ =	shalt  }
0x51: {  	_ =	shalt  }
0x52: {  	_ =	shalt  }
0x53: {  	_ =	shalt  }
0x54: {  	_ =	shalt  }
0x55: {  	_ =	shalt  }
0x56: {  	_ =	shalt  }
0x57: {  	_ =	shalt  }
0x58: {  	_ =	shalt  }
0x59: {  	_ =	shalt  }
0x5a: {  	_ =	shalt  }
0x5b: {  	_ =	shalt  }
0x5c: {  	_ =	shalt  }
0x5d: {  	_ =	shalt  }
0x5e: {  	_ =	shalt  }
0x5f: {  	_ =	shalt  }
0x60: {  	_ =	shalt  }
0x61: {  	_ =	shalt  }
0x62: {  	_ =	shalt  }
0x63: {  	_ =	shalt  }
0x64: {  	_ =	shalt  }
0x65: {  	_ =	shalt  }
0x66: {  	_ =	shalt  }
0x67: {  	_ =	shalt  }
0x68: {  	_ =	shalt  }
0x69: {  	_ =	shalt  }
0x6a: {  	_ =	shalt  }
0x6b: {  	_ =	shalt  }
0x6c: {  	_ =	shalt  }
0x6d: {  	_ =	shalt  }
0x6e: {  	_ =	shalt  }
0x6f: {  	_ =	shalt  }
0x70: {  	_ =	shalt  }
0x71: {  	_ =	shalt  }
0x72: {  	_ =	shalt  }
0x73: {  	_ =	shalt  }
0x74: {  	_ =	shalt  }
0x75: {  	_ =	shalt  }
0x76: {  	_ =	shalt  }
0x77: {  	_ =	shalt  }
0x78: {  	_ =	shalt  }
0x79: {  	_ =	shalt  }
0x7a: {  	_ =	shalt  }
0x7b: {  	_ =	shalt  }
0x7c: {  	_ =	shalt  }
0x7d: {  	_ =	shalt  }
0x7e: {  	_ =	shalt  }
0x7f: {  	_ =	shalt  }
0x80: {  	_ =	shalt  }
0x81: {  	_ =	shalt  }
0x82: {  	_ =	shalt  }
0x83: {  	_ =	shalt  }
0x84: {  	_ =	shalt  }
0x85: {  	_ =	shalt  }
0x86: {  	_ =	shalt  }
0x87: {  	_ =	shalt  }
.Lfunc_end0:
.L_simem_size_0:
called_computation_lowered:
.L_overlay_start_0:
0x88: {  	s2 =	sld [smem:$0x3FD9]  }
0x89: {  	s3 =	sld [smem:$0x3FFE];
	_ =	sdelay $0x1  }
0x8a: {  	s1 =	srdreg.scid  }
0x8b: {  	s0 =	sand.u32 $0x1, s1  }
0x8c: {  	s17 =	sshll.u32 s0, $0xA;
	s2 =	sadd.s32 s3, s2  }
0x8d: {  	s2 =	sadd.s32 s2, s17  }
0x8e: {  	[smem:$0x3FC4] =	sst s2  }
0x8f: {  	_ = 	snop  }
0x90: {  	s2 =	sld [smem:$0x3FD0];
	(tm) =	ssettm $0x1  }
0x91: {  	s18 =	sld [smem:$0x3FFB];
	_ =	sdelay $0x3  }
0x92: {  	_ =	strace s18  }
0x93: {  	s3 =	sld [smem:$0x3FFC];
	_ =	sdelay $0x3  }
0x94: {  	_ =	strace s3  }
0x95: {  	s3 =	sld [smem:$0x3FFD];
	_ =	sdelay $0x3  }
0x96: {  	_ =	strace s3  }
0x97: {  	_ =	strace $0x8FFFFFFF  }
0x98: {  	s19 =	sld [smem:$0x3FDB];
	_ =	sdelay $0x1  }
0x99: {  	s4 =	simm.s32 $_scs_section_size  }
0x9a: {  	s5 =	simm.s32 $_size__tile_overlayer_lowered;
	s6 =	simm.s32 $_tile_overlayer_lowered  }
0x9b: {  	s22 =	simm.s32 $0x1BFF;
	s21 =	sshll.u32 s6, $0x1;
	s3 =	sadd.s32 s4, s19  }
0x9c: {  	s7 =	simm.s32 $0x0;
	s20 =	sshll.u32 s5, $0x1;
	s5 =	sadd.s32 s21, s3  }
0x9d: {  	[timem:s7], [sflag:s22] =	dma.local [hbm:s5], s20  }
0x9e: {  	_ =	swait.ge [sflag:s22], s20  }
0x9f: {  	s4 =	ssub.s32 $0x0, s20;
	[sflag:s22] =	ssyncset.done $0x0  }
0xa0: {  	[sflag:s22] =	ssyncadd.s32 s4;
	_ =	sdelay $0x1  }
0xa1: {  	s23 =	simm.s32 $0x1B8B  }
0xa2: {  	_ =	swait.ge [sflag:s23], $0x1  }
0xa3: {  	[sflag:s23] =	ssyncset.done $0x0  }
0xa4: {  	s25 =	simm.s32 $0x1B8E;
	s24 =	sld [smem:$0x3FFE];
	[sflag:s23] =	ssyncadd.s32 $0xFFFFFFFF  }
0xa5: {  	s26 =	simm.s32 $execute0_lowered;
	[smem:$0x3FD2] =	sst s25  }
0xa6: {  	s5 =	sshll.u32 s26, $0x1;
	_ =	strace $0x80000046;
	[dreg:$0x1] =	wrdreg $0xFFFFFFFF  }
0xa7: {  	s28 =	simm.s32 $_size_execute0_lowered;
	s3 =	sadd.s32 s3, s5;
	[dreg:$0x0] =	wrdreg $0x0  }
0xa8: {  	s5 =	sshll.u32 s28, $0x1;
	[dreg:$0x2] =	wrdreg s3  }
0xa9: {  	[dreg:$0x3] =	wrdreg s5  }
0xaa: {  	[dreg:$0x4] =	wrdreg $0xC0  }
0xab: {  	_ =	task [dreg:s7], $0x5FFFF  }
0xac: {  	[dreg:$0x1] =	wrdreg $0xFFFFFFFF  }
0xad: {  	[dreg:$0x0] =	wrdreg $0x60  }
0xae: {  	[dreg:$0x2] =	wrdreg s24  }
0xaf: {  	[dreg:$0x3] =	wrdreg s2  }
0xb0: {  	[dreg:$0x4] =	wrdreg $0x18000  }
0xb1: {  	[dreg:$0x5] =	wrdreg $0x9  }
0xb2: {  	_ =	task.clear_ibuf [dreg:s7], $0x6FFFF;
	_ =	strace $0x90000046  }
0xb3: {  	s29 =	simm.s32 $0x9;
	_ =	strace $0x80000048  }
0xb4: {  	_ =	swait.ge [sflag:s29], $0x1  }
0xb5: {  	[sflag:s29] =	ssyncadd.s32 $0xFFFFFFFF  }
0xb6: {  	_ =	strace $0x90000048  }
0xb7: {  	_ =	sfence  }
0xb8: {  	s30 =	sld [smem:$0x0];
	_ =	sdelay $0x2  }
0xb9: {  	s31 =	sshll.u32 s1, $0xD;
	s1 =	sshrl.u32 s1, $0x2  }
0xba: {  	s3 =	sand.u32 $0x4000, s31;
	s1 =	sadd.s32 s1, s30  }
0xbb: {  	s0 =	sor.u32 s3, s0;
	s1 =	sshll.u32 s1, $0x11  }
0xbc: {  	s0 =	sor.u32 s1, s0  }
0xbd: {  	s0 =	sadd.s32 $0x8F2B, s0  }
0xbe: {  	[sflag:s0] =	ssyncadd.remote.s32 $0x1  }
0xbf: {  	_ =	sfence.sel $0xFFFF  }
0xc0: {  	[dreg:$0x0] =	wrdreg $0xFFFFFFFF;
	(pc) =	sbr.abs _section_cstart, $3  }
0xc1: {  	[dreg:$0x1] =	wrdreg $0xFFFFFFFF  }
0xc2: {  	_ =	task.clear_ibuf [dreg:s7], $0x2FFFF;
	_ =	strace $0x9FFFFFFF  }
0xc3: {  	(tm) =	ssettm $0x7FFFFFFF  }
tec
execute0_lowered:
.L_overlay_start_1:
0x0: {  	(tag) =	ssettag $0x1  }
0x1: {  	s6 =	rddreg [dreg:$0x0]  }
0x2: {  	s8 =	rddreg [dreg:$0x1]  }
0x3: {  	s1 =	rddreg [dreg:$0x2];
	s2 =	srdreg.scid  }
0x4: {  	s0 =	rddreg [dreg:$0x3];
	s3 =	simm.s32 $0x0;
	s14 =	simm.s32 $0x1  }
0x5: {  	s15 =	simm.s32 $0x2;
	s16 =	simm.s32 $0x0;
	s7 =	sand.u32 $0x1, s2  }
0x6: {  	[smem:$0x7FF] =	sst s3;
	s2 =	stileid.u32;
	s4 =	sshll.u32 s7, $0x4  }
0x7: {  	_ =	strace $0x80000047;
	s9 =	smul.u32 $0x13C0, s2;
	s10 =	ssub.s32 $0x2, s7  }
0x8: {  	s7 =	smul.u32 $0x13C00, s7;
	s13 =	sshll.u32 s2, $0x6;
	s5 =	sor.u32 s2, s4  }
0x9: {  	s4 =	sadd.s32 $0xBE00, s6;
	s12 =	sshrl.u32 s10, $0x1;
	s11 =	smul.u32 $0x1400, s5  }
0xa: {  	s5 =	sadd.s32 $0xC000, s6;
	s31 =	sadd.s32 s9, s1;
	s9 =	sadd.s32 s9, s7  }
0xb: {  	s10 =	ssub.s32 s10, s12;
	s12 =	simm.s32 $0x1400;
	s9 =	sshrl.u32 s9, $0x3  }
0xc: {  	s11 =	sshrl.u32 s11, $0x3;
	s8 =	sadd.s32 s8, s9;
	s9 =	smax.u32 s10, $0x1  }
0xd: {  	s10 =	sshrl.u32 s31, $0x3;
	s11 =	sadd.s32 s6, s11;
	s6 =	sor.u32 $0x1C03, s13  }
0xe: {  	s13 =	simm.s32 $0x80;
	s7 =	sadd.s32 $0x6E00, s11;
	s11 =	simm.s32 $0x3  }
.LBB2_1:
0xf: {  	[spmem:s10], [sflag:s6] =	dma.local [hbm:s5], $0x278  }
0x10: {  	_ =	swait.ge [sflag:s11], $0x278  }
0x11: {  	[sflag:s11] =	ssyncset.done $0x0  }
0x12: {  	[sflag:s11] =	ssyncadd.s32 $0xFFFFFD88  }
0x13: {  	[tilespmem:s3], [sflag:$0x3] =	stream.linear.gather [hbm4b:s7+s3], $0x1400, $0x38;
	[tilespmem:$0x2BC0] =	vst v63  }
0x14: {  	_ =	swait.ge [sflag:s11], $0x1400  }
0x15: {  	[sflag:s11] =	ssyncset.done $0x0  }
0x16: {  	[sflag:s11] =	ssyncadd.s32 $0xFFFFEC00  }
0x17: {  	[tilespmem:s12], [sflag:$0x3] =	stream.linear.gather [hbm4b:s4+s3], $0x400, $0x38;
	[tilespmem:$0x2BC0] =	vst v63  }
0x18: {  	_ =	swait.ge [sflag:s11], $0x400  }
0x19: {  	[sflag:s11] =	ssyncset.done $0x0  }
0x1a: {  	[sflag:s11] =	ssyncadd.s32 $0xFFFFFC00  }
0x1b: {  	[bflag:$0x0] =	sbarrier.arrive $0xFFFF  }
0x1c: {  	[spmem:s1] =	stream.indirect.scatter.add.f32 [tilespmem:s12], [sflag:$0x1], $0x8, s3, s13, $0xb8;
	[tilespmem:$0x2BC0] =	vst v63  }
0x1d: {  	_ = 	snop  }
0x1e: {  	[spmem:s1] =	stream.indirect.scatter.add.f32 [tilespmem:s12], [sflag:$0x2], $0x8, s13, s13, $0xb8;
	[tilespmem:$0x2BC0] =	vst v63  }
0x1f: {  	_ =	swait.ge [sflag:s14], $0x400  }
0x20: {  	[sflag:s14] =	ssyncset.done $0x0  }
0x21: {  	s17 =	simm.s32 $0x100;
	[sflag:s14] =	ssyncadd.s32 $0xFFFFFC00  }
0x22: {  	[spmem:s1] =	stream.indirect.scatter.add.f32 [tilespmem:s12], [sflag:$0x1], $0x8, s17, s13, $0xb8;
	[tilespmem:$0x2BC0] =	vst v63  }
0x23: {  	_ =	swait.ge [sflag:s15], $0x400  }
0x24: {  	[sflag:s15] =	ssyncset.done $0x0  }
0x25: {  	s18 =	simm.s32 $0x180;
	s17 =	simm.s32 $0xFFFFB800;
	[sflag:s15] =	ssyncadd.s32 $0xFFFFFC00  }
.LBB2_2:
0x26: {  	[spmem:s1] =	stream.indirect.scatter.add.f32 [tilespmem:s12], [sflag:$0x2], $0x8, s18, s13, $0xb8;
	[tilespmem:$0x2BC0] =	vst v63  }
0x27: {  	s18 =	smov.u32 s17  }
0x28: {  	p0 =	sne.s32 s17, $0xFFFFFC00;
	s17 =	sadd.s32 $0x400, s17;
	_ =	swait.ge [sflag:s14], $0x400  }
0x29: {  	s18 =	sshra.s32 s18, $0x2;
	[sflag:s14] =	ssyncset.done $0x0  }
.Ltmp0:
0x2a: {  	s19 =	sadd.s32 $0x1400, s18;
	[sflag:s14] =	ssyncadd.s32 $0xFFFFFC00;
	(pc) =	sbr.rel @p0 .LBB2_2-.Ltmp0, $4  }
0x2b: {  	[spmem:s1] =	stream.indirect.scatter.add.f32 [tilespmem:s12], [sflag:$0x1], $0x8, s19, s13, $0xb8;
	[tilespmem:$0x2BC0] =	vst v63  }
0x2c: {  	_ =	swait.ge [sflag:s15], $0x400  }
0x2d: {  	[sflag:s15] =	ssyncset.done $0x0  }
0x2e: {  	s18 =	sadd.s32 $0x1480, s18;
	[sflag:s15] =	ssyncadd.s32 $0xFFFFFC00  }
0x2f: {  	[spmem:s1] =	stream.indirect.scatter.add.f32 [tilespmem:s12], [sflag:$0x2], $0x8, s18, s13, $0xb8;
	[tilespmem:$0x2BC0] =	vst v63  }
0x30: {  	_ =	swait.ge [sflag:s14], $0x400  }
0x31: {  	[sflag:s14] =	ssyncset.done $0x0  }
0x32: {  	[sflag:s14] =	ssyncadd.s32 $0xFFFFFC00  }
0x33: {  	_ =	swait.ge [sflag:s15], $0x400  }
0x34: {  	s16 =	sadd.s32 $0x1, s16;
	[sflag:s15] =	ssyncset.done $0x0  }
0x35: {  	p0 =	sne.s32 s16, s9;
	[sflag:s15] =	ssyncadd.s32 $0xFFFFFC00  }
.Ltmp1:
0x36: {  	[bflag:$0x0] =	sbarrier.arrive $0xFFFF;
	(pc) =	sbr.rel @p0 .LBB2_1-.Ltmp1, $4  }
0x37: {  	[hbm:s8], [sflag:s6] =	dma.local [spmem:s10], $0x278  }
0x38: {  	_ =	swait.ge [sflag:s11], $0x278  }
0x39: {  	[sflag:s11] =	ssyncset.done $0x0  }
0x3a: {  	[sflag:s11] =	ssyncadd.s32 $0xFFFFFD88  }
0x3b: {  	_ =	sfence.sel $0x180000  }
0x3c: {  	[bflag:$0x0] =	sbarrier.arrive $0xFFFF  }
0x3d: {  	p0 =	sne.s32 s2, $0x0;
	_ =	strace $0x90000047  }
0x3e: {  	s0 =	sadd.s32 @!p0 $0x100000, s0;
	[bflag:$0x2] =	sbarrier.arrive $0xFFFF  }
0x3f: {  	[sflag:s0] =	ssyncadd.tile.s32 @!p0 $0x1;
	_ =	shalt  }
.Lfunc_end2:
_tile_overlayer_lowered:
.L_overlay_start_2:
0x40: {  	(tag) =	ssettag $0x2  }
0x41: {  	s0 =	rddreg [dreg:$0x0];
	s2 =	stileid.u32  }
0x42: {  	s1 =	rddreg [dreg:$0x1];
	p0 =	sne.s32 s2, $0x0  }
0x43: {  	s3 =	rddreg [dreg:$0x2];
	[bflag:$0x3] =	sbarrier.arrive $0xFFFF;
	s2 =	simm.s32 @!p0 $0x1C03  }
0x44: {  	[timem:s3], [sflag:s2] =	dma.local @!p0 [hbm:s0], s1  }
0x45: {  	s0 =	simm.s32 @!p0 $0x3  }
0x46: {  	_ =	swait.ge @!p0 [sflag:s0], s1  }
0x47: {  	s1 =	ssub.s32 @!p0 $0x0, s1;
	[sflag:s0] =	ssyncset.done @!p0 $0x0  }
0x48: {  	[sflag:s0] =	ssyncadd.s32 @!p0 s1  }
0x49: {  	[bflag:$0x3] =	sbarrier.arrive $0xFFFF  }
0x4a: {  	_ =	shalt  }

</sc_bundles>
